<compile_context>
chip_gen: v7x
topology: tpu7x:2x2x1
jax: 0.10.2.dev20260603
libtpu: 0.0.44.dev20260713+nightly
codegen_flags: <defaults>
</compile_context>

<pallas_src>
import functools

import jax
import jax.numpy as jnp
from jax import lax
from jax.experimental import pallas as pl
from jax.experimental.pallas import tpu as pltpu
from jax.experimental.pallas import tpu_sc as plsc

RADIUS = 13
WINDOW = 27
WW = WINDOW * WINDOW
TOK = WW + 1
EMB = 32
GH = 1024
GW = 1024
NB = 4096
NCORES = 2
NSUB = 16
NWORK = NCORES * NSUB
APW = NB // NWORK
CH = 128
NCH = 6
SLOTS = CH * NCH
import numpy as np

GRP = 32
OOB_ROW = 0
GT_BASE = 4096
CELL_BASE = 8192
T32 = CELL_BASE + GH * GW
TROWS = T32 // 4

def _pack_body(gt3_ref, gtt_ref, e_ref, out_ref):
    i = pl.program_id(0)

    def pack(v):
        parts = [jnp.transpose(v[:, 256 * j:256 * (j + 1)]) for j in range(4)]
        return jnp.concatenate(parts, axis=1)

    @pl.when(i == 0)
    def _():
        e2 = e_ref[...]
        e4 = jnp.concatenate([e2, e2, e2, e2], axis=1)
        out_ref[...] = jnp.broadcast_to(e4, (1024, 128))

    @pl.when(i == 1)
    def _():
        g = gtt_ref[...]
        out_ref[...] = jnp.concatenate(
            [pack(g[:, 1024 * q:1024 * (q + 1)]) for q in range(4)], axis=0)

    @pl.when(i >= 2)
    def _():
        v = gt3_ref[...]
        out_ref[...] = jnp.concatenate(
            [pack(v[r]) for r in range(4)], axis=0)


def _make_table(grid_with_pe, global_token, e_oob):
    gt3 = jnp.transpose(grid_with_pe, (0, 2, 1))
    gtt = jnp.transpose(global_token)

    def gmap(i):
        return (jnp.clip(i - 2, 0, GH // 4 - 1), 0, 0)

    table128 = pl.pallas_call(
        _pack_body,
        grid=(TROWS // 1024,),
        in_specs=[
            pl.BlockSpec((4, EMB, GW), gmap),
            pl.BlockSpec((EMB, NB), lambda i: (0, 0)),
            pl.BlockSpec((1, EMB), lambda i: (0, 0)),
        ],
        out_specs=pl.BlockSpec((1024, 128), lambda i: (i, 0)),
        out_shape=jax.ShapeDtypeStruct((TROWS, 128), jnp.float32),
    )(gt3, gtt, e_oob.reshape(1, EMB))
    return table128.reshape(T32, EMB)


def _idx_mask_body(pos_ref, idx_ref, mask_ref, *, bb):
    pid = pl.program_id(0)
    y0 = pos_ref[:, 0].astype(jnp.int32).reshape(bb, 1, 1)
    x0 = pos_ref[:, 1].astype(jnp.int32).reshape(bb, 1, 1)
    s = (lax.broadcasted_iota(jnp.int32, (1, NCH, CH), 1) * CH
         + lax.broadcasted_iota(jnp.int32, (1, NCH, CH), 2))
    dy = s // WINDOW - RADIUS
    dx = s % WINDOW - RADIUS
    y = y0 + dy
    x = x0 + dx
    oob = (y < 0) | (y >= GH) | (x < 0) | (x >= GW)
    yc = jnp.clip(y, 0, GH - 1)
    xc = jnp.clip(x, 0, GW - 1)
    win_idx = jnp.where(oob, OOB_ROW,
                        CELL_BASE + yc * GW + 4 * (xc % 256) + xc // 256)
    b_glob = pid * bb + lax.broadcasted_iota(jnp.int32, (bb, NCH, CH), 0)
    c_glob = b_glob % 1024
    gt_row = (GT_BASE + (b_glob // 1024) * 1024
              + 4 * (c_glob % 256) + c_glob // 256)
    idx = jnp.where(s == WW, gt_row,
                    jnp.where(s > WW, OOB_ROW, win_idx))
    idx_ref[...] = idx
    w = lax.broadcasted_iota(jnp.int32, (1, WW), 1)
    my = y0.reshape(bb, 1) + (w // WINDOW - RADIUS)
    mx = x0.reshape(bb, 1) + (w % WINDOW - RADIUS)
    inb = (my >= 0) & (my < GH) & (mx >= 0) & (mx < GW)
    mask_ref[...] = inb.astype(jnp.uint8)


def _make_idx_mask(pos):
    bb = 256
    return pl.pallas_call(
        functools.partial(_idx_mask_body, bb=bb),
        grid=(NB // bb,),
        in_specs=[pl.BlockSpec((bb, 2), lambda i: (i, 0))],
        out_specs=[
            pl.BlockSpec((bb, NCH, CH), lambda i: (i, 0, 0)),
            pl.BlockSpec((bb, WW), lambda i: (i, 0)),
        ],
        out_shape=[
            jax.ShapeDtypeStruct((NB, NCH, CH), jnp.int32),
            jax.ShapeDtypeStruct((NB, WW), jnp.uint8),
        ],
    )(pos)


def _sc_gather(table, idx):
    mesh = plsc.VectorSubcoreMesh(core_axis_name="c", subcore_axis_name="s")

    @functools.partial(
        pl.kernel,
        mesh=mesh,
        out_type=jax.ShapeDtypeStruct((NB, TOK, EMB), jnp.float32),
        scratch_types=[
            pltpu.VMEM((GRP, NCH, CH), jnp.int32),
            pltpu.VMEM((SLOTS, EMB), jnp.float32),
            pltpu.VMEM((SLOTS, EMB), jnp.float32),
            pltpu.VMEM((SLOTS, EMB), jnp.float32),
            pltpu.VMEM((SLOTS, EMB), jnp.float32),
            pltpu.SemaphoreType.DMA,
            pltpu.SemaphoreType.DMA,
            pltpu.SemaphoreType.DMA,
            pltpu.SemaphoreType.DMA,
            pltpu.SemaphoreType.DMA,
            pltpu.SemaphoreType.DMA,
            pltpu.SemaphoreType.DMA,
            pltpu.SemaphoreType.DMA,
        ],
        compiler_params=pltpu.CompilerParams(use_tc_tiling_on_sc=False),
    )
    def k(table_hbm, idx_hbm, out_hbm, idx_v, b0, b1, b2, b3,
          g0, g1, g2, g3, o0, o1, o2, o3):
        wid = lax.axis_index("s") * NCORES + lax.axis_index("c")
        base = wid * APW
        bufs = (b0, b1, b2, b3)
        gsems = (g0, g1, g2, g3)
        osems = (o0, o1, o2, o3)

        def fire(buf, gsem, a_local):
            for kk in range(NCH):
                pltpu.async_copy(
                    table_hbm.at[idx_v.at[a_local, kk]],
                    buf.at[pl.ds(kk * CH, CH)], gsem)

        def out_copy(buf, osem, a_glob):
            return pltpu.async_copy(
                buf.at[pl.ds(0, TOK)], out_hbm.at[a_glob], osem)

        def drain_out(osem):
            pltpu.make_async_copy(
                out_hbm.at[0], b0.at[pl.ds(0, TOK)], osem).wait()

        def drain_gather(buf, gsem):
            pltpu.make_async_copy(
                table_hbm.at[pl.ds(0, SLOTS)], buf, gsem).wait()

        def body(j, carry):
            a0 = 4 * j
            g = a0 % GRP

            @pl.when(g == 0)
            def _():
                pltpu.sync_copy(
                    idx_hbm.at[pl.ds(base + a0, GRP)], idx_v)

            for u in range(4):
                @pl.when(j > 0)
                def _():
                    drain_out(osems[u])
                fire(bufs[u], gsems[u], g + u)
            for u in range(4):
                drain_gather(bufs[u], gsems[u])
                out_copy(bufs[u], osems[u], base + a0 + u)
            return carry

        lax.fori_loop(0, APW // 4, body, 0)
        for u in range(4):
            drain_out(osems[u])

    return k(table, idx)


def kernel(grid_with_pe, pos, global_token, e_oob):
    table = _make_table(grid_with_pe, global_token, e_oob)
    idx, mask8 = _make_idx_mask(pos.astype(jnp.int32))
    tokens = _sc_gather(table, idx)
    return tokens, mask8.astype(bool)

# --- scband reference (transcript-rebuilt; emitter-appended) ---
"""Pipeline reference for scband-vision-tokenizer-27109833572385 (READ-ONLY COPY).

The authoritative reference and input builder live on the scoring server;
editing this copy changes nothing except your own understanding.
"""

import jax, jax.numpy as jnp
import numpy as np

RADIUS = 13
WINDOW = 27
EMBED_DIM = 32
H = 1024
W = 1024
B = 4096


def setup_inputs(seed: int = 0) -> dict:
    key = jax.random.key(seed)
    k1, k2, k3, k4 = jax.random.split(key, 4)
    grid_with_pe = jax.random.normal(k1, (H, W, EMBED_DIM), dtype=jnp.float32)
    pos = jax.random.randint(k2, (B, 2), 0, H)
    global_token = jax.random.normal(k3, (B, EMBED_DIM), dtype=jnp.float32)
    e_oob = jax.random.normal(k4, (EMBED_DIM,), dtype=jnp.float32) * 0.01
    return {"grid_with_pe": grid_with_pe, "pos": pos, "global_token": global_token, "e_oob": e_oob}


def reference(grid_with_pe, pos, global_token, e_oob):
    Hh, Ww, E = grid_with_pe.shape
    ys = jnp.arange(-RADIUS, RADIUS + 1, dtype=jnp.int32)
    dy = jnp.broadcast_to(ys.reshape(-1, 1), (WINDOW, WINDOW))
    dx = jnp.broadcast_to(ys.reshape(1, -1), (WINDOW, WINDOW))
    y0 = pos[:, 0].astype(jnp.int32).reshape(-1, 1, 1)
    x0 = pos[:, 1].astype(jnp.int32).reshape(-1, 1, 1)
    y_idx = y0 + dy[None, :, :]
    x_idx = x0 + dx[None, :, :]
    oob = (y_idx < 0) | (y_idx >= Hh) | (x_idx < 0) | (x_idx >= Ww)
    inb = ~oob
    y_c = jnp.clip(y_idx, 0, Hh - 1)
    x_c = jnp.clip(x_idx, 0, Ww - 1)
    # gather [B, 27, 27, E] windows from the grid (SparseCore-style gather)
    patch = grid_with_pe[y_c, x_c]
    e = e_oob.reshape(1, 1, 1, E).astype(patch.dtype)
    patch = jnp.where(oob[..., None], e, patch)
    Bn = pos.shape[0]
    patch_tokens = patch.reshape(Bn, WINDOW * WINDOW, E)
    patch_mask = inb.reshape(Bn, WINDOW * WINDOW)
    tokens_730 = jnp.concatenate([patch_tokens, global_token[:, None, :]], axis=1)
    return (tokens_730, patch_mask)

if __name__ == "__main__":
    import jax
    _d = setup_inputs()
    print(jax.jit(kernel)(*tuple(_d.values())))

</pallas_src>

<mosaic_0001>
#map = affine_map<(d0, d1) -> (0, 0)>
#map1 = affine_map<(d0, d1) -> (0, 0, 0)>
module attributes {stable_mosaic.version = 14 : i64} {
  func.func @k(%arg0: i32, %arg1: i32, %arg2: memref<1056768x32xf32, #tpu.memory_space<hbm>>, %arg3: memref<4096x6x128xi32, #tpu.memory_space<hbm>>, %arg4: memref<4096x730x32xf32, #tpu.memory_space<hbm>>, %arg5: memref<32x6x128xi32, #tpu.memory_space<vmem>>, %arg6: memref<768x32xf32, #tpu.memory_space<vmem>>, %arg7: memref<768x32xf32, #tpu.memory_space<vmem>>, %arg8: memref<768x32xf32, #tpu.memory_space<vmem>>, %arg9: memref<768x32xf32, #tpu.memory_space<vmem>>, %arg10: memref<!tpu.dma_semaphore, #tpu.memory_space<semaphore_mem>>, %arg11: memref<!tpu.dma_semaphore, #tpu.memory_space<semaphore_mem>>, %arg12: memref<!tpu.dma_semaphore, #tpu.memory_space<semaphore_mem>>, %arg13: memref<!tpu.dma_semaphore, #tpu.memory_space<semaphore_mem>>, %arg14: memref<!tpu.dma_semaphore, #tpu.memory_space<semaphore_mem>>, %arg15: memref<!tpu.dma_semaphore, #tpu.memory_space<semaphore_mem>>, %arg16: memref<!tpu.dma_semaphore, #tpu.memory_space<semaphore_mem>>, %arg17: memref<!tpu.dma_semaphore, #tpu.memory_space<semaphore_mem>>) attributes {dimension_semantics = [#tpu.dimension_semantics<core_parallel>, #tpu.dimension_semantics<subcore_parallel>], iteration_bounds = array<i64: 2, 16>, scalar_prefetch = 0 : i64, scratch_operands = 13 : i64, tpu.core_type = #tpu.core_type<sc_vector_subcore>, window_params = [{transform_indices = #map}, {transform_indices = #map1}, {transform_indices = #map1}]} {
    %mul3A = arith.constant 2 : i32
    %mul3A_0 = arith.muli %arg1, %mul3A : i32
    %add3A = arith.addi %mul3A_0, %arg0 : i32
    %mul3A_1 = arith.constant 128 : i32
    %mul3A_2 = arith.muli %add3A, %mul3A_1 : i32
    %scan3A = arith.constant 0 : i32
    %scan3A_3 = arith.constant 0 : i32
    %scan3A_4 = arith.constant 32 : i32
    %scan3A_5 = arith.addi %scan3A_3, %scan3A_4 : i32
    %scan3A_6 = arith.constant 1 : i32
    scf.for %scan3A_67 = %scan3A_3 to %scan3A_5 step %scan3A_6  : i32 {
      %mul3A_68 = arith.constant 4 : i32
      %mul3A_69 = arith.muli %mul3A_68, %scan3A_67 : i32
      %jit3A = arith.constant 32 : i32
      %eq3A = arith.constant 0 : i32
      %eq3A_70 = arith.cmpi eq, %jit3A, %eq3A : i32
      %jit3A_71 = arith.constant 1 : i32
      %select_n3A = arith.select %eq3A_70, %jit3A_71, %jit3A : i32
      %rem3A = arith.remsi %mul3A_69, %select_n3A : i32
      %ne3A = arith.constant 0 : i32
      %ne3A_72 = arith.cmpi ne, %rem3A, %ne3A : i32
      %lt3A = arith.constant 0 : i32
      %lt3A_73 = arith.cmpi slt, %rem3A, %lt3A : i32
      %lt3A_74 = arith.constant 0 : i32
      %lt3A_75 = arith.cmpi slt, %select_n3A, %lt3A_74 : i32
      %ne3A_76 = arith.xori %lt3A_73, %lt3A_75 : i1
      %and3A = arith.andi %ne3A_76, %ne3A_72 : i1
      %add3A_77 = arith.addi %rem3A, %select_n3A : i32
      %select_n3A_78 = arith.select %and3A, %add3A_77, %rem3A : i32
      %eq3A_79 = arith.constant 0 : i32
      %eq3A_80 = arith.cmpi eq, %select_n3A_78, %eq3A_79 : i32
      %convert_element_type3A = arith.extui %eq3A_80 : i1 to i32
      %cond3A = arith.constant 0 : i32
      %cond3A_81 = arith.cmpi ne, %convert_element_type3A, %cond3A : i32
      scf.if %cond3A_81 {
        %add3A_440 = arith.addi %mul3A_2, %mul3A_69 : i32
        "tpu.region"() ({
          %run_scoped3A = tpu.sem_alloc : memref<!tpu.dma_semaphore, #tpu.memory_space<semaphore_mem>>
          %dma_start3A_441 = arith.constant 0 : i32
          %dma_start3A_442 = arith.constant 0 : i32
          %dma_start3A_443 = tpu.memref_slice %arg3[%add3A_440, %dma_start3A_441, %dma_start3A_442] : memref<4096x6x128xi32, #tpu.memory_space<hbm>> -> memref<32x6x128xi32, #tpu.memory_space<hbm>>
          %dma_start3A_444 = arith.constant 0 : i32
          %dma_start3A_445 = arith.constant 0 : i32
          %dma_start3A_446 = tpu.memref_slice %arg3[%add3A_440, %dma_start3A_444, %dma_start3A_445] : memref<4096x6x128xi32, #tpu.memory_space<hbm>> -> memref<32x6x128xi32, #tpu.memory_space<hbm>>
          tpu.enqueue_dma source(%dma_start3A_446 : memref<32x6x128xi32, #tpu.memory_space<hbm>>) target(%arg5 : memref<32x6x128xi32, #tpu.memory_space<vmem>>) target_semaphore(%run_scoped3A : memref<!tpu.dma_semaphore, #tpu.memory_space<semaphore_mem>>)
          %dma_wait3A_447 = arith.constant 0 : i32
          %dma_wait3A_448 = arith.constant 0 : i32
          %dma_wait3A_449 = tpu.memref_slice %arg3[%add3A_440, %dma_wait3A_447, %dma_wait3A_448] : memref<4096x6x128xi32, #tpu.memory_space<hbm>> -> memref<32x6x128xi32, #tpu.memory_space<hbm>>
          %dma_wait3A_450 = arith.constant 0 : i32
          %dma_wait3A_451 = arith.constant 0 : i32
          %dma_wait3A_452 = tpu.memref_slice %arg3[%add3A_440, %dma_wait3A_450, %dma_wait3A_451] : memref<4096x6x128xi32, #tpu.memory_space<hbm>> -> memref<32x6x128xi32, #tpu.memory_space<hbm>>
          tpu.wait_dma2 semaphore(%run_scoped3A : memref<!tpu.dma_semaphore, #tpu.memory_space<semaphore_mem>>) src(%dma_wait3A_452 : memref<32x6x128xi32, #tpu.memory_space<hbm>>) dst(%arg5 : memref<32x6x128xi32, #tpu.memory_space<vmem>>)
          tpu.yield
        }) : () -> ()
      } else {
      }
      %gt3A = arith.constant 0 : i32
      %gt3A_82 = arith.cmpi sgt, %scan3A_67, %gt3A : i32
      %convert_element_type3A_83 = arith.extui %gt3A_82 : i1 to i32
      %cond3A_84 = arith.constant 0 : i32
      %cond3A_85 = arith.cmpi ne, %convert_element_type3A_83, %cond3A_84 : i32
      scf.if %cond3A_85 {
        %dma_wait3A_440 = arith.constant 0 : i32
        %dma_wait3A_441 = arith.constant 0 : i32
        %dma_wait3A_442 = arith.constant 0 : i32
        %dma_wait3A_443 = tpu.memref_slice %arg6[%dma_wait3A_441, %dma_wait3A_442] : memref<768x32xf32, #tpu.memory_space<vmem>> -> memref<730x32xf32, #tpu.memory_space<vmem>>
        %dma_wait3A_444 = arith.constant 0 : i32
        %dma_wait3A_445 = arith.constant 0 : i32
        %dma_wait3A_446 = tpu.memref_slice %arg4[%dma_wait3A_440, %dma_wait3A_444, %dma_wait3A_445] : memref<4096x730x32xf32, #tpu.memory_space<hbm>> -> memref<1x730x32xf32, #tpu.memory_space<hbm>>
        %dma_wait3A_447 = tpu.memref_squeeze %dma_wait3A_446 : memref<1x730x32xf32, #tpu.memory_space<hbm>> -> memref<730x32xf32, #tpu.memory_space<hbm>>
        %dma_wait3A_448 = arith.constant 0 : i32
        %dma_wait3A_449 = arith.constant 0 : i32
        %dma_wait3A_450 = tpu.memref_slice %arg6[%dma_wait3A_448, %dma_wait3A_449] : memref<768x32xf32, #tpu.memory_space<vmem>> -> memref<730x32xf32, #tpu.memory_space<vmem>>
        %dma_wait3A_451 = arith.constant 0 : i32
        %dma_wait3A_452 = arith.constant 0 : i32
        %dma_wait3A_453 = tpu.memref_slice %arg4[%dma_wait3A_440, %dma_wait3A_451, %dma_wait3A_452] : memref<4096x730x32xf32, #tpu.memory_space<hbm>> -> memref<1x730x32xf32, #tpu.memory_space<hbm>>
        %dma_wait3A_454 = tpu.memref_squeeze %dma_wait3A_453 : memref<1x730x32xf32, #tpu.memory_space<hbm>> -> memref<730x32xf32, #tpu.memory_space<hbm>>
        tpu.wait_dma2 semaphore(%arg14 : memref<!tpu.dma_semaphore, #tpu.memory_space<semaphore_mem>>) src(%dma_wait3A_454 : memref<730x32xf32, #tpu.memory_space<hbm>>) dst(%dma_wait3A_450 : memref<730x32xf32, #tpu.memory_space<vmem>>)
      } else {
      }
      %add3A_86 = arith.constant 0 : i32
      %add3A_87 = arith.addi %select_n3A_78, %add3A_86 : i32
      %dma_start3A = arith.constant 0 : i32
      %dma_start3A_88 = arith.constant 0 : i32
      %dma_start3A_89 = arith.constant 0 : i32
      %dma_start3A_90 = tpu.memref_slice %arg6[%dma_start3A_88, %dma_start3A_89] : memref<768x32xf32, #tpu.memory_space<vmem>> -> memref<128x32xf32, #tpu.memory_space<vmem>>
      %dma_start3A_91 = arith.constant 0 : i32
      %dma_start3A_92 = tpu.memref_slice %arg5[%add3A_87, %dma_start3A, %dma_start3A_91] : memref<32x6x128xi32, #tpu.memory_space<vmem>> -> memref<1x1x128xi32, #tpu.memory_space<vmem>>
      %dma_start3A_93 = tpu.memref_squeeze %dma_start3A_92 : memref<1x1x128xi32, #tpu.memory_space<vmem>> -> memref<128xi32, #tpu.memory_space<vmem>>
      %dma_start3A_94 = arith.constant 0 : i32
      %dma_start3A_95 = arith.constant 0 : i32
      %dma_start3A_96 = tpu.memref_slice %arg2[%dma_start3A_94, %dma_start3A_95] : memref<1056768x32xf32, #tpu.memory_space<hbm>> -> memref<1056768x32xf32, #tpu.memory_space<hbm>>
      tpu.enqueue_indirect_dma source(%dma_start3A_96 : memref<1056768x32xf32, #tpu.memory_space<hbm>>) target(%dma_start3A_90 : memref<128x32xf32, #tpu.memory_space<vmem>>) offsets(%dma_start3A_93 : memref<128xi32, #tpu.memory_space<vmem>>) semaphore(%arg10 : memref<!tpu.dma_semaphore, #tpu.memory_space<semaphore_mem>>)
      %dma_start3A_97 = arith.constant 1 : i32
      %dma_start3A_98 = arith.constant 128 : i32
      %dma_start3A_99 = arith.constant 0 : i32
      %dma_start3A_100 = tpu.memref_slice %arg6[%dma_start3A_98, %dma_start3A_99] : memref<768x32xf32, #tpu.memory_space<vmem>> -> memref<128x32xf32, #tpu.memory_space<vmem>>
      %dma_start3A_101 = arith.constant 0 : i32
      %dma_start3A_102 = tpu.memref_slice %arg5[%add3A_87, %dma_start3A_97, %dma_start3A_101] : memref<32x6x128xi32, #tpu.memory_space<vmem>> -> memref<1x1x128xi32, #tpu.memory_space<vmem>>
      %dma_start3A_103 = tpu.memref_squeeze %dma_start3A_102 : memref<1x1x128xi32, #tpu.memory_space<vmem>> -> memref<128xi32, #tpu.memory_space<vmem>>
      %dma_start3A_104 = arith.constant 0 : i32
      %dma_start3A_105 = arith.constant 0 : i32
      %dma_start3A_106 = tpu.memref_slice %arg2[%dma_start3A_104, %dma_start3A_105] : memref<1056768x32xf32, #tpu.memory_space<hbm>> -> memref<1056768x32xf32, #tpu.memory_space<hbm>>
      tpu.enqueue_indirect_dma source(%dma_start3A_106 : memref<1056768x32xf32, #tpu.memory_space<hbm>>) target(%dma_start3A_100 : memref<128x32xf32, #tpu.memory_space<vmem>>) offsets(%dma_start3A_103 : memref<128xi32, #tpu.memory_space<vmem>>) semaphore(%arg10 : memref<!tpu.dma_semaphore, #tpu.memory_space<semaphore_mem>>)
      %dma_start3A_107 = arith.constant 2 : i32
      %dma_start3A_108 = arith.constant 256 : i32
      %dma_start3A_109 = arith.constant 0 : i32
      %dma_start3A_110 = tpu.memref_slice %arg6[%dma_start3A_108, %dma_start3A_109] : memref<768x32xf32, #tpu.memory_space<vmem>> -> memref<128x32xf32, #tpu.memory_space<vmem>>
      %dma_start3A_111 = arith.constant 0 : i32
      %dma_start3A_112 = tpu.memref_slice %arg5[%add3A_87, %dma_start3A_107, %dma_start3A_111] : memref<32x6x128xi32, #tpu.memory_space<vmem>> -> memref<1x1x128xi32, #tpu.memory_space<vmem>>
      %dma_start3A_113 = tpu.memref_squeeze %dma_start3A_112 : memref<1x1x128xi32, #tpu.memory_space<vmem>> -> memref<128xi32, #tpu.memory_space<vmem>>
      %dma_start3A_114 = arith.constant 0 : i32
      %dma_start3A_115 = arith.constant 0 : i32
      %dma_start3A_116 = tpu.memref_slice %arg2[%dma_start3A_114, %dma_start3A_115] : memref<1056768x32xf32, #tpu.memory_space<hbm>> -> memref<1056768x32xf32, #tpu.memory_space<hbm>>
      tpu.enqueue_indirect_dma source(%dma_start3A_116 : memref<1056768x32xf32, #tpu.memory_space<hbm>>) target(%dma_start3A_110 : memref<128x32xf32, #tpu.memory_space<vmem>>) offsets(%dma_start3A_113 : memref<128xi32, #tpu.memory_space<vmem>>) semaphore(%arg10 : memref<!tpu.dma_semaphore, #tpu.memory_space<semaphore_mem>>)
      %dma_start3A_117 = arith.constant 3 : i32
      %dma_start3A_118 = arith.constant 384 : i32
      %dma_start3A_119 = arith.constant 0 : i32
      %dma_start3A_120 = tpu.memref_slice %arg6[%dma_start3A_118, %dma_start3A_119] : memref<768x32xf32, #tpu.memory_space<vmem>> -> memref<128x32xf32, #tpu.memory_space<vmem>>
      %dma_start3A_121 = arith.constant 0 : i32
      %dma_start3A_122 = tpu.memref_slice %arg5[%add3A_87, %dma_start3A_117, %dma_start3A_121] : memref<32x6x128xi32, #tpu.memory_space<vmem>> -> memref<1x1x128xi32, #tpu.memory_space<vmem>>
      %dma_start3A_123 = tpu.memref_squeeze %dma_start3A_122 : memref<1x1x128xi32, #tpu.memory_space<vmem>> -> memref<128xi32, #tpu.memory_space<vmem>>
      %dma_start3A_124 = arith.constant 0 : i32
      %dma_start3A_125 = arith.constant 0 : i32
      %dma_start3A_126 = tpu.memref_slice %arg2[%dma_start3A_124, %dma_start3A_125] : memref<1056768x32xf32, #tpu.memory_space<hbm>> -> memref<1056768x32xf32, #tpu.memory_space<hbm>>
      tpu.enqueue_indirect_dma source(%dma_start3A_126 : memref<1056768x32xf32, #tpu.memory_space<hbm>>) target(%dma_start3A_120 : memref<128x32xf32, #tpu.memory_space<vmem>>) offsets(%dma_start3A_123 : memref<128xi32, #tpu.memory_space<vmem>>) semaphore(%arg10 : memref<!tpu.dma_semaphore, #tpu.memory_space<semaphore_mem>>)
      %dma_start3A_127 = arith.constant 4 : i32
      %dma_start3A_128 = arith.constant 512 : i32
      %dma_start3A_129 = arith.constant 0 : i32
      %dma_start3A_130 = tpu.memref_slice %arg6[%dma_start3A_128, %dma_start3A_129] : memref<768x32xf32, #tpu.memory_space<vmem>> -> memref<128x32xf32, #tpu.memory_space<vmem>>
      %dma_start3A_131 = arith.constant 0 : i32
      %dma_start3A_132 = tpu.memref_slice %arg5[%add3A_87, %dma_start3A_127, %dma_start3A_131] : memref<32x6x128xi32, #tpu.memory_space<vmem>> -> memref<1x1x128xi32, #tpu.memory_space<vmem>>
      %dma_start3A_133 = tpu.memref_squeeze %dma_start3A_132 : memref<1x1x128xi32, #tpu.memory_space<vmem>> -> memref<128xi32, #tpu.memory_space<vmem>>
      %dma_start3A_134 = arith.constant 0 : i32
      %dma_start3A_135 = arith.constant 0 : i32
      %dma_start3A_136 = tpu.memref_slice %arg2[%dma_start3A_134, %dma_start3A_135] : memref<1056768x32xf32, #tpu.memory_space<hbm>> -> memref<1056768x32xf32, #tpu.memory_space<hbm>>
      tpu.enqueue_indirect_dma source(%dma_start3A_136 : memref<1056768x32xf32, #tpu.memory_space<hbm>>) target(%dma_start3A_130 : memref<128x32xf32, #tpu.memory_space<vmem>>) offsets(%dma_start3A_133 : memref<128xi32, #tpu.memory_space<vmem>>) semaphore(%arg10 : memref<!tpu.dma_semaphore, #tpu.memory_space<semaphore_mem>>)
      %dma_start3A_137 = arith.constant 5 : i32
      %dma_start3A_138 = arith.constant 640 : i32
      %dma_start3A_139 = arith.constant 0 : i32
      %dma_start3A_140 = tpu.memref_slice %arg6[%dma_start3A_138, %dma_start3A_139] : memref<768x32xf32, #tpu.memory_space<vmem>> -> memref<128x32xf32, #tpu.memory_space<vmem>>
      %dma_start3A_141 = arith.constant 0 : i32
      %dma_start3A_142 = tpu.memref_slice %arg5[%add3A_87, %dma_start3A_137, %dma_start3A_141] : memref<32x6x128xi32, #tpu.memory_space<vmem>> -> memref<1x1x128xi32, #tpu.memory_space<vmem>>
      %dma_start3A_143 = tpu.memref_squeeze %dma_start3A_142 : memref<1x1x128xi32, #tpu.memory_space<vmem>> -> memref<128xi32, #tpu.memory_space<vmem>>
      %dma_start3A_144 = arith.constant 0 : i32
      %dma_start3A_145 = arith.constant 0 : i32
      %dma_start3A_146 = tpu.memref_slice %arg2[%dma_start3A_144, %dma_start3A_145] : memref<1056768x32xf32, #tpu.memory_space<hbm>> -> memref<1056768x32xf32, #tpu.memory_space<hbm>>
      tpu.enqueue_indirect_dma source(%dma_start3A_146 : memref<1056768x32xf32, #tpu.memory_space<hbm>>) target(%dma_start3A_140 : memref<128x32xf32, #tpu.memory_space<vmem>>) offsets(%dma_start3A_143 : memref<128xi32, #tpu.memory_space<vmem>>) semaphore(%arg10 : memref<!tpu.dma_semaphore, #tpu.memory_space<semaphore_mem>>)
      %gt3A_147 = arith.constant 0 : i32
      %gt3A_148 = arith.cmpi sgt, %scan3A_67, %gt3A_147 : i32
      %convert_element_type3A_149 = arith.extui %gt3A_148 : i1 to i32
      %cond3A_150 = arith.constant 0 : i32
      %cond3A_151 = arith.cmpi ne, %convert_element_type3A_149, %cond3A_150 : i32
      scf.if %cond3A_151 {
        %dma_wait3A_440 = arith.constant 0 : i32
        %dma_wait3A_441 = arith.constant 0 : i32
        %dma_wait3A_442 = arith.constant 0 : i32
        %dma_wait3A_443 = tpu.memref_slice %arg6[%dma_wait3A_441, %dma_wait3A_442] : memref<768x32xf32, #tpu.memory_space<vmem>> -> memref<730x32xf32, #tpu.memory_space<vmem>>
        %dma_wait3A_444 = arith.constant 0 : i32
        %dma_wait3A_445 = arith.constant 0 : i32
        %dma_wait3A_446 = tpu.memref_slice %arg4[%dma_wait3A_440, %dma_wait3A_444, %dma_wait3A_445] : memref<4096x730x32xf32, #tpu.memory_space<hbm>> -> memref<1x730x32xf32, #tpu.memory_space<hbm>>
        %dma_wait3A_447 = tpu.memref_squeeze %dma_wait3A_446 : memref<1x730x32xf32, #tpu.memory_space<hbm>> -> memref<730x32xf32, #tpu.memory_space<hbm>>
        %dma_wait3A_448 = arith.constant 0 : i32
        %dma_wait3A_449 = arith.constant 0 : i32
        %dma_wait3A_450 = tpu.memref_slice %arg6[%dma_wait3A_448, %dma_wait3A_449] : memref<768x32xf32, #tpu.memory_space<vmem>> -> memref<730x32xf32, #tpu.memory_space<vmem>>
        %dma_wait3A_451 = arith.constant 0 : i32
        %dma_wait3A_452 = arith.constant 0 : i32
        %dma_wait3A_453 = tpu.memref_slice %arg4[%dma_wait3A_440, %dma_wait3A_451, %dma_wait3A_452] : memref<4096x730x32xf32, #tpu.memory_space<hbm>> -> memref<1x730x32xf32, #tpu.memory_space<hbm>>
        %dma_wait3A_454 = tpu.memref_squeeze %dma_wait3A_453 : memref<1x730x32xf32, #tpu.memory_space<hbm>> -> memref<730x32xf32, #tpu.memory_space<hbm>>
        tpu.wait_dma2 semaphore(%arg15 : memref<!tpu.dma_semaphore, #tpu.memory_space<semaphore_mem>>) src(%dma_wait3A_454 : memref<730x32xf32, #tpu.memory_space<hbm>>) dst(%dma_wait3A_450 : memref<730x32xf32, #tpu.memory_space<vmem>>)
      } else {
      }
      %add3A_152 = arith.constant 1 : i32
      %add3A_153 = arith.addi %select_n3A_78, %add3A_152 : i32
      %dma_start3A_154 = arith.constant 0 : i32
      %dma_start3A_155 = arith.constant 0 : i32
      %dma_start3A_156 = arith.constant 0 : i32
      %dma_start3A_157 = tpu.memref_slice %arg7[%dma_start3A_155, %dma_start3A_156] : memref<768x32xf32, #tpu.memory_space<vmem>> -> memref<128x32xf32, #tpu.memory_space<vmem>>
      %dma_start3A_158 = arith.constant 0 : i32
      %dma_start3A_159 = tpu.memref_slice %arg5[%add3A_153, %dma_start3A_154, %dma_start3A_158] : memref<32x6x128xi32, #tpu.memory_space<vmem>> -> memref<1x1x128xi32, #tpu.memory_space<vmem>>
      %dma_start3A_160 = tpu.memref_squeeze %dma_start3A_159 : memref<1x1x128xi32, #tpu.memory_space<vmem>> -> memref<128xi32, #tpu.memory_space<vmem>>
      %dma_start3A_161 = arith.constant 0 : i32
      %dma_start3A_162 = arith.constant 0 : i32
      %dma_start3A_163 = tpu.memref_slice %arg2[%dma_start3A_161, %dma_start3A_162] : memref<1056768x32xf32, #tpu.memory_space<hbm>> -> memref<1056768x32xf32, #tpu.memory_space<hbm>>
      tpu.enqueue_indirect_dma source(%dma_start3A_163 : memref<1056768x32xf32, #tpu.memory_space<hbm>>) target(%dma_start3A_157 : memref<128x32xf32, #tpu.memory_space<vmem>>) offsets(%dma_start3A_160 : memref<128xi32, #tpu.memory_space<vmem>>) semaphore(%arg11 : memref<!tpu.dma_semaphore, #tpu.memory_space<semaphore_mem>>)
      %dma_start3A_164 = arith.constant 1 : i32
      %dma_start3A_165 = arith.constant 128 : i32
      %dma_start3A_166 = arith.constant 0 : i32
      %dma_start3A_167 = tpu.memref_slice %arg7[%dma_start3A_165, %dma_start3A_166] : memref<768x32xf32, #tpu.memory_space<vmem>> -> memref<128x32xf32, #tpu.memory_space<vmem>>
      %dma_start3A_168 = arith.constant 0 : i32
      %dma_start3A_169 = tpu.memref_slice %arg5[%add3A_153, %dma_start3A_164, %dma_start3A_168] : memref<32x6x128xi32, #tpu.memory_space<vmem>> -> memref<1x1x128xi32, #tpu.memory_space<vmem>>
      %dma_start3A_170 = tpu.memref_squeeze %dma_start3A_169 : memref<1x1x128xi32, #tpu.memory_space<vmem>> -> memref<128xi32, #tpu.memory_space<vmem>>
      %dma_start3A_171 = arith.constant 0 : i32
      %dma_start3A_172 = arith.constant 0 : i32
      %dma_start3A_173 = tpu.memref_slice %arg2[%dma_start3A_171, %dma_start3A_172] : memref<1056768x32xf32, #tpu.memory_space<hbm>> -> memref<1056768x32xf32, #tpu.memory_space<hbm>>
      tpu.enqueue_indirect_dma source(%dma_start3A_173 : memref<1056768x32xf32, #tpu.memory_space<hbm>>) target(%dma_start3A_167 : memref<128x32xf32, #tpu.memory_space<vmem>>) offsets(%dma_start3A_170 : memref<128xi32, #tpu.memory_space<vmem>>) semaphore(%arg11 : memref<!tpu.dma_semaphore, #tpu.memory_space<semaphore_mem>>)
      %dma_start3A_174 = arith.constant 2 : i32
      %dma_start3A_175 = arith.constant 256 : i32
      %dma_start3A_176 = arith.constant 0 : i32
      %dma_start3A_177 = tpu.memref_slice %arg7[%dma_start3A_175, %dma_start3A_176] : memref<768x32xf32, #tpu.memory_space<vmem>> -> memref<128x32xf32, #tpu.memory_space<vmem>>
      %dma_start3A_178 = arith.constant 0 : i32
      %dma_start3A_179 = tpu.memref_slice %arg5[%add3A_153, %dma_start3A_174, %dma_start3A_178] : memref<32x6x128xi32, #tpu.memory_space<vmem>> -> memref<1x1x128xi32, #tpu.memory_space<vmem>>
      %dma_start3A_180 = tpu.memref_squeeze %dma_start3A_179 : memref<1x1x128xi32, #tpu.memory_space<vmem>> -> memref<128xi32, #tpu.memory_space<vmem>>
      %dma_start3A_181 = arith.constant 0 : i32
      %dma_start3A_182 = arith.constant 0 : i32
      %dma_start3A_183 = tpu.memref_slice %arg2[%dma_start3A_181, %dma_start3A_182] : memref<1056768x32xf32, #tpu.memory_space<hbm>> -> memref<1056768x32xf32, #tpu.memory_space<hbm>>
      tpu.enqueue_indirect_dma source(%dma_start3A_183 : memref<1056768x32xf32, #tpu.memory_space<hbm>>) target(%dma_start3A_177 : memref<128x32xf32, #tpu.memory_space<vmem>>) offsets(%dma_start3A_180 : memref<128xi32, #tpu.memory_space<vmem>>) semaphore(%arg11 : memref<!tpu.dma_semaphore, #tpu.memory_space<semaphore_mem>>)
      %dma_start3A_184 = arith.constant 3 : i32
      %dma_start3A_185 = arith.constant 384 : i32
      %dma_start3A_186 = arith.constant 0 : i32
      %dma_start3A_187 = tpu.memref_slice %arg7[%dma_start3A_185, %dma_start3A_186] : memref<768x32xf32, #tpu.memory_space<vmem>> -> memref<128x32xf32, #tpu.memory_space<vmem>>
      %dma_start3A_188 = arith.constant 0 : i32
      %dma_start3A_189 = tpu.memref_slice %arg5[%add3A_153, %dma_start3A_184, %dma_start3A_188] : memref<32x6x128xi32, #tpu.memory_space<vmem>> -> memref<1x1x128xi32, #tpu.memory_space<vmem>>
      %dma_start3A_190 = tpu.memref_squeeze %dma_start3A_189 : memref<1x1x128xi32, #tpu.memory_space<vmem>> -> memref<128xi32, #tpu.memory_space<vmem>>
      %dma_start3A_191 = arith.constant 0 : i32
      %dma_start3A_192 = arith.constant 0 : i32
      %dma_start3A_193 = tpu.memref_slice %arg2[%dma_start3A_191, %dma_start3A_192] : memref<1056768x32xf32, #tpu.memory_space<hbm>> -> memref<1056768x32xf32, #tpu.memory_space<hbm>>
      tpu.enqueue_indirect_dma source(%dma_start3A_193 : memref<1056768x32xf32, #tpu.memory_space<hbm>>) target(%dma_start3A_187 : memref<128x32xf32, #tpu.memory_space<vmem>>) offsets(%dma_start3A_190 : memref<128xi32, #tpu.memory_space<vmem>>) semaphore(%arg11 : memref<!tpu.dma_semaphore, #tpu.memory_space<semaphore_mem>>)
      %dma_start3A_194 = arith.constant 4 : i32
      %dma_start3A_195 = arith.constant 512 : i32
      %dma_start3A_196 = arith.constant 0 : i32
      %dma_start3A_197 = tpu.memref_slice %arg7[%dma_start3A_195, %dma_start3A_196] : memref<768x32xf32, #tpu.memory_space<vmem>> -> memref<128x32xf32, #tpu.memory_space<vmem>>
      %dma_start3A_198 = arith.constant 0 : i32
      %dma_start3A_199 = tpu.memref_slice %arg5[%add3A_153, %dma_start3A_194, %dma_start3A_198] : memref<32x6x128xi32, #tpu.memory_space<vmem>> -> memref<1x1x128xi32, #tpu.memory_space<vmem>>
      %dma_start3A_200 = tpu.memref_squeeze %dma_start3A_199 : memref<1x1x128xi32, #tpu.memory_space<vmem>> -> memref<128xi32, #tpu.memory_space<vmem>>
      %dma_start3A_201 = arith.constant 0 : i32
      %dma_start3A_202 = arith.constant 0 : i32
      %dma_start3A_203 = tpu.memref_slice %arg2[%dma_start3A_201, %dma_start3A_202] : memref<1056768x32xf32, #tpu.memory_space<hbm>> -> memref<1056768x32xf32, #tpu.memory_space<hbm>>
      tpu.enqueue_indirect_dma source(%dma_start3A_203 : memref<1056768x32xf32, #tpu.memory_space<hbm>>) target(%dma_start3A_197 : memref<128x32xf32, #tpu.memory_space<vmem>>) offsets(%dma_start3A_200 : memref<128xi32, #tpu.memory_space<vmem>>) semaphore(%arg11 : memref<!tpu.dma_semaphore, #tpu.memory_space<semaphore_mem>>)
      %dma_start3A_204 = arith.constant 5 : i32
      %dma_start3A_205 = arith.constant 640 : i32
      %dma_start3A_206 = arith.constant 0 : i32
      %dma_start3A_207 = tpu.memref_slice %arg7[%dma_start3A_205, %dma_start3A_206] : memref<768x32xf32, #tpu.memory_space<vmem>> -> memref<128x32xf32, #tpu.memory_space<vmem>>
      %dma_start3A_208 = arith.constant 0 : i32
      %dma_start3A_209 = tpu.memref_slice %arg5[%add3A_153, %dma_start3A_204, %dma_start3A_208] : memref<32x6x128xi32, #tpu.memory_space<vmem>> -> memref<1x1x128xi32, #tpu.memory_space<vmem>>
      %dma_start3A_210 = tpu.memref_squeeze %dma_start3A_209 : memref<1x1x128xi32, #tpu.memory_space<vmem>> -> memref<128xi32, #tpu.memory_space<vmem>>
      %dma_start3A_211 = arith.constant 0 : i32
      %dma_start3A_212 = arith.constant 0 : i32
      %dma_start3A_213 = tpu.memref_slice %arg2[%dma_start3A_211, %dma_start3A_212] : memref<1056768x32xf32, #tpu.memory_space<hbm>> -> memref<1056768x32xf32, #tpu.memory_space<hbm>>
      tpu.enqueue_indirect_dma source(%dma_start3A_213 : memref<1056768x32xf32, #tpu.memory_space<hbm>>) target(%dma_start3A_207 : memref<128x32xf32, #tpu.memory_space<vmem>>) offsets(%dma_start3A_210 : memref<128xi32, #tpu.memory_space<vmem>>) semaphore(%arg11 : memref<!tpu.dma_semaphore, #tpu.memory_space<semaphore_mem>>)
      %gt3A_214 = arith.constant 0 : i32
      %gt3A_215 = arith.cmpi sgt, %scan3A_67, %gt3A_214 : i32
      %convert_element_type3A_216 = arith.extui %gt3A_215 : i1 to i32
      %cond3A_217 = arith.constant 0 : i32
      %cond3A_218 = arith.cmpi ne, %convert_element_type3A_216, %cond3A_217 : i32
      scf.if %cond3A_218 {
        %dma_wait3A_440 = arith.constant 0 : i32
        %dma_wait3A_441 = arith.constant 0 : i32
        %dma_wait3A_442 = arith.constant 0 : i32
        %dma_wait3A_443 = tpu.memref_slice %arg6[%dma_wait3A_441, %dma_wait3A_442] : memref<768x32xf32, #tpu.memory_space<vmem>> -> memref<730x32xf32, #tpu.memory_space<vmem>>
        %dma_wait3A_444 = arith.constant 0 : i32
        %dma_wait3A_445 = arith.constant 0 : i32
        %dma_wait3A_446 = tpu.memref_slice %arg4[%dma_wait3A_440, %dma_wait3A_444, %dma_wait3A_445] : memref<4096x730x32xf32, #tpu.memory_space<hbm>> -> memref<1x730x32xf32, #tpu.memory_space<hbm>>
        %dma_wait3A_447 = tpu.memref_squeeze %dma_wait3A_446 : memref<1x730x32xf32, #tpu.memory_space<hbm>> -> memref<730x32xf32, #tpu.memory_space<hbm>>
        %dma_wait3A_448 = arith.constant 0 : i32
        %dma_wait3A_449 = arith.constant 0 : i32
        %dma_wait3A_450 = tpu.memref_slice %arg6[%dma_wait3A_448, %dma_wait3A_449] : memref<768x32xf32, #tpu.memory_space<vmem>> -> memref<730x32xf32, #tpu.memory_space<vmem>>
        %dma_wait3A_451 = arith.constant 0 : i32
        %dma_wait3A_452 = arith.constant 0 : i32
        %dma_wait3A_453 = tpu.memref_slice %arg4[%dma_wait3A_440, %dma_wait3A_451, %dma_wait3A_452] : memref<4096x730x32xf32, #tpu.memory_space<hbm>> -> memref<1x730x32xf32, #tpu.memory_space<hbm>>
        %dma_wait3A_454 = tpu.memref_squeeze %dma_wait3A_453 : memref<1x730x32xf32, #tpu.memory_space<hbm>> -> memref<730x32xf32, #tpu.memory_space<hbm>>
        tpu.wait_dma2 semaphore(%arg16 : memref<!tpu.dma_semaphore, #tpu.memory_space<semaphore_mem>>) src(%dma_wait3A_454 : memref<730x32xf32, #tpu.memory_space<hbm>>) dst(%dma_wait3A_450 : memref<730x32xf32, #tpu.memory_space<vmem>>)
      } else {
      }
      %add3A_219 = arith.constant 2 : i32
      %add3A_220 = arith.addi %select_n3A_78, %add3A_219 : i32
      %dma_start3A_221 = arith.constant 0 : i32
      %dma_start3A_222 = arith.constant 0 : i32
      %dma_start3A_223 = arith.constant 0 : i32
      %dma_start3A_224 = tpu.memref_slice %arg8[%dma_start3A_222, %dma_start3A_223] : memref<768x32xf32, #tpu.memory_space<vmem>> -> memref<128x32xf32, #tpu.memory_space<vmem>>
      %dma_start3A_225 = arith.constant 0 : i32
      %dma_start3A_226 = tpu.memref_slice %arg5[%add3A_220, %dma_start3A_221, %dma_start3A_225] : memref<32x6x128xi32, #tpu.memory_space<vmem>> -> memref<1x1x128xi32, #tpu.memory_space<vmem>>
      %dma_start3A_227 = tpu.memref_squeeze %dma_start3A_226 : memref<1x1x128xi32, #tpu.memory_space<vmem>> -> memref<128xi32, #tpu.memory_space<vmem>>
      %dma_start3A_228 = arith.constant 0 : i32
      %dma_start3A_229 = arith.constant 0 : i32
      %dma_start3A_230 = tpu.memref_slice %arg2[%dma_start3A_228, %dma_start3A_229] : memref<1056768x32xf32, #tpu.memory_space<hbm>> -> memref<1056768x32xf32, #tpu.memory_space<hbm>>
      tpu.enqueue_indirect_dma source(%dma_start3A_230 : memref<1056768x32xf32, #tpu.memory_space<hbm>>) target(%dma_start3A_224 : memref<128x32xf32, #tpu.memory_space<vmem>>) offsets(%dma_start3A_227 : memref<128xi32, #tpu.memory_space<vmem>>) semaphore(%arg12 : memref<!tpu.dma_semaphore, #tpu.memory_space<semaphore_mem>>)
      %dma_start3A_231 = arith.constant 1 : i32
      %dma_start3A_232 = arith.constant 128 : i32
      %dma_start3A_233 = arith.constant 0 : i32
      %dma_start3A_234 = tpu.memref_slice %arg8[%dma_start3A_232, %dma_start3A_233] : memref<768x32xf32, #tpu.memory_space<vmem>> -> memref<128x32xf32, #tpu.memory_space<vmem>>
      %dma_start3A_235 = arith.constant 0 : i32
      %dma_start3A_236 = tpu.memref_slice %arg5[%add3A_220, %dma_start3A_231, %dma_start3A_235] : memref<32x6x128xi32, #tpu.memory_space<vmem>> -> memref<1x1x128xi32, #tpu.memory_space<vmem>>
      %dma_start3A_237 = tpu.memref_squeeze %dma_start3A_236 : memref<1x1x128xi32, #tpu.memory_space<vmem>> -> memref<128xi32, #tpu.memory_space<vmem>>
      %dma_start3A_238 = arith.constant 0 : i32
      %dma_start3A_239 = arith.constant 0 : i32
      %dma_start3A_240 = tpu.memref_slice %arg2[%dma_start3A_238, %dma_start3A_239] : memref<1056768x32xf32, #tpu.memory_space<hbm>> -> memref<1056768x32xf32, #tpu.memory_space<hbm>>
      tpu.enqueue_indirect_dma source(%dma_start3A_240 : memref<1056768x32xf32, #tpu.memory_space<hbm>>) target(%dma_start3A_234 : memref<128x32xf32, #tpu.memory_space<vmem>>) offsets(%dma_start3A_237 : memref<128xi32, #tpu.memory_space<vmem>>) semaphore(%arg12 : memref<!tpu.dma_semaphore, #tpu.memory_space<semaphore_mem>>)
      %dma_start3A_241 = arith.constant 2 : i32
      %dma_start3A_242 = arith.constant 256 : i32
      %dma_start3A_243 = arith.constant 0 : i32
      %dma_start3A_244 = tpu.memref_slice %arg8[%dma_start3A_242, %dma_start3A_243] : memref<768x32xf32, #tpu.memory_space<vmem>> -> memref<128x32xf32, #tpu.memory_space<vmem>>
      %dma_start3A_245 = arith.constant 0 : i32
      %dma_start3A_246 = tpu.memref_slice %arg5[%add3A_220, %dma_start3A_241, %dma_start3A_245] : memref<32x6x128xi32, #tpu.memory_space<vmem>> -> memref<1x1x128xi32, #tpu.memory_space<vmem>>
      %dma_start3A_247 = tpu.memref_squeeze %dma_start3A_246 : memref<1x1x128xi32, #tpu.memory_space<vmem>> -> memref<128xi32, #tpu.memory_space<vmem>>
      %dma_start3A_248 = arith.constant 0 : i32
      %dma_start3A_249 = arith.constant 0 : i32
      %dma_start3A_250 = tpu.memref_slice %arg2[%dma_start3A_248, %dma_start3A_249] : memref<1056768x32xf32, #tpu.memory_space<hbm>> -> memref<1056768x32xf32, #tpu.memory_space<hbm>>
      tpu.enqueue_indirect_dma source(%dma_start3A_250 : memref<1056768x32xf32, #tpu.memory_space<hbm>>) target(%dma_start3A_244 : memref<128x32xf32, #tpu.memory_space<vmem>>) offsets(%dma_start3A_247 : memref<128xi32, #tpu.memory_space<vmem>>) semaphore(%arg12 : memref<!tpu.dma_semaphore, #tpu.memory_space<semaphore_mem>>)
      %dma_start3A_251 = arith.constant 3 : i32
      %dma_start3A_252 = arith.constant 384 : i32
      %dma_start3A_253 = arith.constant 0 : i32
      %dma_start3A_254 = tpu.memref_slice %arg8[%dma_start3A_252, %dma_start3A_253] : memref<768x32xf32, #tpu.memory_space<vmem>> -> memref<128x32xf32, #tpu.memory_space<vmem>>
      %dma_start3A_255 = arith.constant 0 : i32
      %dma_start3A_256 = tpu.memref_slice %arg5[%add3A_220, %dma_start3A_251, %dma_start3A_255] : memref<32x6x128xi32, #tpu.memory_space<vmem>> -> memref<1x1x128xi32, #tpu.memory_space<vmem>>
      %dma_start3A_257 = tpu.memref_squeeze %dma_start3A_256 : memref<1x1x128xi32, #tpu.memory_space<vmem>> -> memref<128xi32, #tpu.memory_space<vmem>>
      %dma_start3A_258 = arith.constant 0 : i32
      %dma_start3A_259 = arith.constant 0 : i32
      %dma_start3A_260 = tpu.memref_slice %arg2[%dma_start3A_258, %dma_start3A_259] : memref<1056768x32xf32, #tpu.memory_space<hbm>> -> memref<1056768x32xf32, #tpu.memory_space<hbm>>
      tpu.enqueue_indirect_dma source(%dma_start3A_260 : memref<1056768x32xf32, #tpu.memory_space<hbm>>) target(%dma_start3A_254 : memref<128x32xf32, #tpu.memory_space<vmem>>) offsets(%dma_start3A_257 : memref<128xi32, #tpu.memory_space<vmem>>) semaphore(%arg12 : memref<!tpu.dma_semaphore, #tpu.memory_space<semaphore_mem>>)
      %dma_start3A_261 = arith.constant 4 : i32
      %dma_start3A_262 = arith.constant 512 : i32
      %dma_start3A_263 = arith.constant 0 : i32
      %dma_start3A_264 = tpu.memref_slice %arg8[%dma_start3A_262, %dma_start3A_263] : memref<768x32xf32, #tpu.memory_space<vmem>> -> memref<128x32xf32, #tpu.memory_space<vmem>>
      %dma_start3A_265 = arith.constant 0 : i32
      %dma_start3A_266 = tpu.memref_slice %arg5[%add3A_220, %dma_start3A_261, %dma_start3A_265] : memref<32x6x128xi32, #tpu.memory_space<vmem>> -> memref<1x1x128xi32, #tpu.memory_space<vmem>>
      %dma_start3A_267 = tpu.memref_squeeze %dma_start3A_266 : memref<1x1x128xi32, #tpu.memory_space<vmem>> -> memref<128xi32, #tpu.memory_space<vmem>>
      %dma_start3A_268 = arith.constant 0 : i32
      %dma_start3A_269 = arith.constant 0 : i32
      %dma_start3A_270 = tpu.memref_slice %arg2[%dma_start3A_268, %dma_start3A_269] : memref<1056768x32xf32, #tpu.memory_space<hbm>> -> memref<1056768x32xf32, #tpu.memory_space<hbm>>
      tpu.enqueue_indirect_dma source(%dma_start3A_270 : memref<1056768x32xf32, #tpu.memory_space<hbm>>) target(%dma_start3A_264 : memref<128x32xf32, #tpu.memory_space<vmem>>) offsets(%dma_start3A_267 : memref<128xi32, #tpu.memory_space<vmem>>) semaphore(%arg12 : memref<!tpu.dma_semaphore, #tpu.memory_space<semaphore_mem>>)
      %dma_start3A_271 = arith.constant 5 : i32
      %dma_start3A_272 = arith.constant 640 : i32
      %dma_start3A_273 = arith.constant 0 : i32
      %dma_start3A_274 = tpu.memref_slice %arg8[%dma_start3A_272, %dma_start3A_273] : memref<768x32xf32, #tpu.memory_space<vmem>> -> memref<128x32xf32, #tpu.memory_space<vmem>>
      %dma_start3A_275 = arith.constant 0 : i32
      %dma_start3A_276 = tpu.memref_slice %arg5[%add3A_220, %dma_start3A_271, %dma_start3A_275] : memref<32x6x128xi32, #tpu.memory_space<vmem>> -> memref<1x1x128xi32, #tpu.memory_space<vmem>>
      %dma_start3A_277 = tpu.memref_squeeze %dma_start3A_276 : memref<1x1x128xi32, #tpu.memory_space<vmem>> -> memref<128xi32, #tpu.memory_space<vmem>>
      %dma_start3A_278 = arith.constant 0 : i32
      %dma_start3A_279 = arith.constant 0 : i32
      %dma_start3A_280 = tpu.memref_slice %arg2[%dma_start3A_278, %dma_start3A_279] : memref<1056768x32xf32, #tpu.memory_space<hbm>> -> memref<1056768x32xf32, #tpu.memory_space<hbm>>
      tpu.enqueue_indirect_dma source(%dma_start3A_280 : memref<1056768x32xf32, #tpu.memory_space<hbm>>) target(%dma_start3A_274 : memref<128x32xf32, #tpu.memory_space<vmem>>) offsets(%dma_start3A_277 : memref<128xi32, #tpu.memory_space<vmem>>) semaphore(%arg12 : memref<!tpu.dma_semaphore, #tpu.memory_space<semaphore_mem>>)
      %gt3A_281 = arith.constant 0 : i32
      %gt3A_282 = arith.cmpi sgt, %scan3A_67, %gt3A_281 : i32
      %convert_element_type3A_283 = arith.extui %gt3A_282 : i1 to i32
      %cond3A_284 = arith.constant 0 : i32
      %cond3A_285 = arith.cmpi ne, %convert_element_type3A_283, %cond3A_284 : i32
      scf.if %cond3A_285 {
        %dma_wait3A_440 = arith.constant 0 : i32
        %dma_wait3A_441 = arith.constant 0 : i32
        %dma_wait3A_442 = arith.constant 0 : i32
        %dma_wait3A_443 = tpu.memref_slice %arg6[%dma_wait3A_441, %dma_wait3A_442] : memref<768x32xf32, #tpu.memory_space<vmem>> -> memref<730x32xf32, #tpu.memory_space<vmem>>
        %dma_wait3A_444 = arith.constant 0 : i32
        %dma_wait3A_445 = arith.constant 0 : i32
        %dma_wait3A_446 = tpu.memref_slice %arg4[%dma_wait3A_440, %dma_wait3A_444, %dma_wait3A_445] : memref<4096x730x32xf32, #tpu.memory_space<hbm>> -> memref<1x730x32xf32, #tpu.memory_space<hbm>>
        %dma_wait3A_447 = tpu.memref_squeeze %dma_wait3A_446 : memref<1x730x32xf32, #tpu.memory_space<hbm>> -> memref<730x32xf32, #tpu.memory_space<hbm>>
        %dma_wait3A_448 = arith.constant 0 : i32
        %dma_wait3A_449 = arith.constant 0 : i32
        %dma_wait3A_450 = tpu.memref_slice %arg6[%dma_wait3A_448, %dma_wait3A_449] : memref<768x32xf32, #tpu.memory_space<vmem>> -> memref<730x32xf32, #tpu.memory_space<vmem>>
        %dma_wait3A_451 = arith.constant 0 : i32
        %dma_wait3A_452 = arith.constant 0 : i32
        %dma_wait3A_453 = tpu.memref_slice %arg4[%dma_wait3A_440, %dma_wait3A_451, %dma_wait3A_452] : memref<4096x730x32xf32, #tpu.memory_space<hbm>> -> memref<1x730x32xf32, #tpu.memory_space<hbm>>
        %dma_wait3A_454 = tpu.memref_squeeze %dma_wait3A_453 : memref<1x730x32xf32, #tpu.memory_space<hbm>> -> memref<730x32xf32, #tpu.memory_space<hbm>>
        tpu.wait_dma2 semaphore(%arg17 : memref<!tpu.dma_semaphore, #tpu.memory_space<semaphore_mem>>) src(%dma_wait3A_454 : memref<730x32xf32, #tpu.memory_space<hbm>>) dst(%dma_wait3A_450 : memref<730x32xf32, #tpu.memory_space<vmem>>)
      } else {
      }
      %add3A_286 = arith.constant 3 : i32
      %add3A_287 = arith.addi %select_n3A_78, %add3A_286 : i32
      %dma_start3A_288 = arith.constant 0 : i32
      %dma_start3A_289 = arith.constant 0 : i32
      %dma_start3A_290 = arith.constant 0 : i32
      %dma_start3A_291 = tpu.memref_slice %arg9[%dma_start3A_289, %dma_start3A_290] : memref<768x32xf32, #tpu.memory_space<vmem>> -> memref<128x32xf32, #tpu.memory_space<vmem>>
      %dma_start3A_292 = arith.constant 0 : i32
      %dma_start3A_293 = tpu.memref_slice %arg5[%add3A_287, %dma_start3A_288, %dma_start3A_292] : memref<32x6x128xi32, #tpu.memory_space<vmem>> -> memref<1x1x128xi32, #tpu.memory_space<vmem>>
      %dma_start3A_294 = tpu.memref_squeeze %dma_start3A_293 : memref<1x1x128xi32, #tpu.memory_space<vmem>> -> memref<128xi32, #tpu.memory_space<vmem>>
      %dma_start3A_295 = arith.constant 0 : i32
      %dma_start3A_296 = arith.constant 0 : i32
      %dma_start3A_297 = tpu.memref_slice %arg2[%dma_start3A_295, %dma_start3A_296] : memref<1056768x32xf32, #tpu.memory_space<hbm>> -> memref<1056768x32xf32, #tpu.memory_space<hbm>>
      tpu.enqueue_indirect_dma source(%dma_start3A_297 : memref<1056768x32xf32, #tpu.memory_space<hbm>>) target(%dma_start3A_291 : memref<128x32xf32, #tpu.memory_space<vmem>>) offsets(%dma_start3A_294 : memref<128xi32, #tpu.memory_space<vmem>>) semaphore(%arg13 : memref<!tpu.dma_semaphore, #tpu.memory_space<semaphore_mem>>)
      %dma_start3A_298 = arith.constant 1 : i32
      %dma_start3A_299 = arith.constant 128 : i32
      %dma_start3A_300 = arith.constant 0 : i32
      %dma_start3A_301 = tpu.memref_slice %arg9[%dma_start3A_299, %dma_start3A_300] : memref<768x32xf32, #tpu.memory_space<vmem>> -> memref<128x32xf32, #tpu.memory_space<vmem>>
      %dma_start3A_302 = arith.constant 0 : i32
      %dma_start3A_303 = tpu.memref_slice %arg5[%add3A_287, %dma_start3A_298, %dma_start3A_302] : memref<32x6x128xi32, #tpu.memory_space<vmem>> -> memref<1x1x128xi32, #tpu.memory_space<vmem>>
      %dma_start3A_304 = tpu.memref_squeeze %dma_start3A_303 : memref<1x1x128xi32, #tpu.memory_space<vmem>> -> memref<128xi32, #tpu.memory_space<vmem>>
      %dma_start3A_305 = arith.constant 0 : i32
      %dma_start3A_306 = arith.constant 0 : i32
      %dma_start3A_307 = tpu.memref_slice %arg2[%dma_start3A_305, %dma_start3A_306] : memref<1056768x32xf32, #tpu.memory_space<hbm>> -> memref<1056768x32xf32, #tpu.memory_space<hbm>>
      tpu.enqueue_indirect_dma source(%dma_start3A_307 : memref<1056768x32xf32, #tpu.memory_space<hbm>>) target(%dma_start3A_301 : memref<128x32xf32, #tpu.memory_space<vmem>>) offsets(%dma_start3A_304 : memref<128xi32, #tpu.memory_space<vmem>>) semaphore(%arg13 : memref<!tpu.dma_semaphore, #tpu.memory_space<semaphore_mem>>)
      %dma_start3A_308 = arith.constant 2 : i32
      %dma_start3A_309 = arith.constant 256 : i32
      %dma_start3A_310 = arith.constant 0 : i32
      %dma_start3A_311 = tpu.memref_slice %arg9[%dma_start3A_309, %dma_start3A_310] : memref<768x32xf32, #tpu.memory_space<vmem>> -> memref<128x32xf32, #tpu.memory_space<vmem>>
      %dma_start3A_312 = arith.constant 0 : i32
      %dma_start3A_313 = tpu.memref_slice %arg5[%add3A_287, %dma_start3A_308, %dma_start3A_312] : memref<32x6x128xi32, #tpu.memory_space<vmem>> -> memref<1x1x128xi32, #tpu.memory_space<vmem>>
      %dma_start3A_314 = tpu.memref_squeeze %dma_start3A_313 : memref<1x1x128xi32, #tpu.memory_space<vmem>> -> memref<128xi32, #tpu.memory_space<vmem>>
      %dma_start3A_315 = arith.constant 0 : i32
      %dma_start3A_316 = arith.constant 0 : i32
      %dma_start3A_317 = tpu.memref_slice %arg2[%dma_start3A_315, %dma_start3A_316] : memref<1056768x32xf32, #tpu.memory_space<hbm>> -> memref<1056768x32xf32, #tpu.memory_space<hbm>>
      tpu.enqueue_indirect_dma source(%dma_start3A_317 : memref<1056768x32xf32, #tpu.memory_space<hbm>>) target(%dma_start3A_311 : memref<128x32xf32, #tpu.memory_space<vmem>>) offsets(%dma_start3A_314 : memref<128xi32, #tpu.memory_space<vmem>>) semaphore(%arg13 : memref<!tpu.dma_semaphore, #tpu.memory_space<semaphore_mem>>)
      %dma_start3A_318 = arith.constant 3 : i32
      %dma_start3A_319 = arith.constant 384 : i32
      %dma_start3A_320 = arith.constant 0 : i32
      %dma_start3A_321 = tpu.memref_slice %arg9[%dma_start3A_319, %dma_start3A_320] : memref<768x32xf32, #tpu.memory_space<vmem>> -> memref<128x32xf32, #tpu.memory_space<vmem>>
      %dma_start3A_322 = arith.constant 0 : i32
      %dma_start3A_323 = tpu.memref_slice %arg5[%add3A_287, %dma_start3A_318, %dma_start3A_322] : memref<32x6x128xi32, #tpu.memory_space<vmem>> -> memref<1x1x128xi32, #tpu.memory_space<vmem>>
      %dma_start3A_324 = tpu.memref_squeeze %dma_start3A_323 : memref<1x1x128xi32, #tpu.memory_space<vmem>> -> memref<128xi32, #tpu.memory_space<vmem>>
      %dma_start3A_325 = arith.constant 0 : i32
      %dma_start3A_326 = arith.constant 0 : i32
      %dma_start3A_327 = tpu.memref_slice %arg2[%dma_start3A_325, %dma_start3A_326] : memref<1056768x32xf32, #tpu.memory_space<hbm>> -> memref<1056768x32xf32, #tpu.memory_space<hbm>>
      tpu.enqueue_indirect_dma source(%dma_start3A_327 : memref<1056768x32xf32, #tpu.memory_space<hbm>>) target(%dma_start3A_321 : memref<128x32xf32, #tpu.memory_space<vmem>>) offsets(%dma_start3A_324 : memref<128xi32, #tpu.memory_space<vmem>>) semaphore(%arg13 : memref<!tpu.dma_semaphore, #tpu.memory_space<semaphore_mem>>)
      %dma_start3A_328 = arith.constant 4 : i32
      %dma_start3A_329 = arith.constant 512 : i32
      %dma_start3A_330 = arith.constant 0 : i32
      %dma_start3A_331 = tpu.memref_slice %arg9[%dma_start3A_329, %dma_start3A_330] : memref<768x32xf32, #tpu.memory_space<vmem>> -> memref<128x32xf32, #tpu.memory_space<vmem>>
      %dma_start3A_332 = arith.constant 0 : i32
      %dma_start3A_333 = tpu.memref_slice %arg5[%add3A_287, %dma_start3A_328, %dma_start3A_332] : memref<32x6x128xi32, #tpu.memory_space<vmem>> -> memref<1x1x128xi32, #tpu.memory_space<vmem>>
      %dma_start3A_334 = tpu.memref_squeeze %dma_start3A_333 : memref<1x1x128xi32, #tpu.memory_space<vmem>> -> memref<128xi32, #tpu.memory_space<vmem>>
      %dma_start3A_335 = arith.constant 0 : i32
      %dma_start3A_336 = arith.constant 0 : i32
      %dma_start3A_337 = tpu.memref_slice %arg2[%dma_start3A_335, %dma_start3A_336] : memref<1056768x32xf32, #tpu.memory_space<hbm>> -> memref<1056768x32xf32, #tpu.memory_space<hbm>>
      tpu.enqueue_indirect_dma source(%dma_start3A_337 : memref<1056768x32xf32, #tpu.memory_space<hbm>>) target(%dma_start3A_331 : memref<128x32xf32, #tpu.memory_space<vmem>>) offsets(%dma_start3A_334 : memref<128xi32, #tpu.memory_space<vmem>>) semaphore(%arg13 : memref<!tpu.dma_semaphore, #tpu.memory_space<semaphore_mem>>)
      %dma_start3A_338 = arith.constant 5 : i32
      %dma_start3A_339 = arith.constant 640 : i32
      %dma_start3A_340 = arith.constant 0 : i32
      %dma_start3A_341 = tpu.memref_slice %arg9[%dma_start3A_339, %dma_start3A_340] : memref<768x32xf32, #tpu.memory_space<vmem>> -> memref<128x32xf32, #tpu.memory_space<vmem>>
      %dma_start3A_342 = arith.constant 0 : i32
      %dma_start3A_343 = tpu.memref_slice %arg5[%add3A_287, %dma_start3A_338, %dma_start3A_342] : memref<32x6x128xi32, #tpu.memory_space<vmem>> -> memref<1x1x128xi32, #tpu.memory_space<vmem>>
      %dma_start3A_344 = tpu.memref_squeeze %dma_start3A_343 : memref<1x1x128xi32, #tpu.memory_space<vmem>> -> memref<128xi32, #tpu.memory_space<vmem>>
      %dma_start3A_345 = arith.constant 0 : i32
      %dma_start3A_346 = arith.constant 0 : i32
      %dma_start3A_347 = tpu.memref_slice %arg2[%dma_start3A_345, %dma_start3A_346] : memref<1056768x32xf32, #tpu.memory_space<hbm>> -> memref<1056768x32xf32, #tpu.memory_space<hbm>>
      tpu.enqueue_indirect_dma source(%dma_start3A_347 : memref<1056768x32xf32, #tpu.memory_space<hbm>>) target(%dma_start3A_341 : memref<128x32xf32, #tpu.memory_space<vmem>>) offsets(%dma_start3A_344 : memref<128xi32, #tpu.memory_space<vmem>>) semaphore(%arg13 : memref<!tpu.dma_semaphore, #tpu.memory_space<semaphore_mem>>)
      %dma_wait3A_348 = arith.constant 0 : i32
      %dma_wait3A_349 = arith.constant 0 : i32
      %dma_wait3A_350 = tpu.memref_slice %arg2[%dma_wait3A_348, %dma_wait3A_349] : memref<1056768x32xf32, #tpu.memory_space<hbm>> -> memref<768x32xf32, #tpu.memory_space<hbm>>
      %dma_wait3A_351 = arith.constant 0 : i32
      %dma_wait3A_352 = arith.constant 0 : i32
      %dma_wait3A_353 = tpu.memref_slice %arg2[%dma_wait3A_351, %dma_wait3A_352] : memref<1056768x32xf32, #tpu.memory_space<hbm>> -> memref<768x32xf32, #tpu.memory_space<hbm>>
      tpu.wait_dma2 semaphore(%arg10 : memref<!tpu.dma_semaphore, #tpu.memory_space<semaphore_mem>>) src(%dma_wait3A_353 : memref<768x32xf32, #tpu.memory_space<hbm>>) dst(%arg6 : memref<768x32xf32, #tpu.memory_space<vmem>>)
      %add3A_354 = arith.addi %mul3A_2, %mul3A_69 : i32
      %add3A_355 = arith.constant 0 : i32
      %add3A_356 = arith.addi %add3A_354, %add3A_355 : i32
      %dma_start3A_357 = arith.constant 0 : i32
      %dma_start3A_358 = arith.constant 0 : i32
      %dma_start3A_359 = tpu.memref_slice %arg6[%dma_start3A_357, %dma_start3A_358] : memref<768x32xf32, #tpu.memory_space<vmem>> -> memref<730x32xf32, #tpu.memory_space<vmem>>
      %dma_start3A_360 = arith.constant 0 : i32
      %dma_start3A_361 = arith.constant 0 : i32
      %dma_start3A_362 = tpu.memref_slice %arg4[%add3A_356, %dma_start3A_360, %dma_start3A_361] : memref<4096x730x32xf32, #tpu.memory_space<hbm>> -> memref<1x730x32xf32, #tpu.memory_space<hbm>>
      %dma_start3A_363 = tpu.memref_squeeze %dma_start3A_362 : memref<1x730x32xf32, #tpu.memory_space<hbm>> -> memref<730x32xf32, #tpu.memory_space<hbm>>
      %dma_start3A_364 = arith.constant 0 : i32
      %dma_start3A_365 = arith.constant 0 : i32
      %dma_start3A_366 = tpu.memref_slice %arg4[%add3A_356, %dma_start3A_364, %dma_start3A_365] : memref<4096x730x32xf32, #tpu.memory_space<hbm>> -> memref<1x730x32xf32, #tpu.memory_space<hbm>>
      %dma_start3A_367 = tpu.memref_squeeze %dma_start3A_366 : memref<1x730x32xf32, #tpu.memory_space<hbm>> -> memref<730x32xf32, #tpu.memory_space<hbm>>
      %dma_start3A_368 = arith.constant 0 : i32
      %dma_start3A_369 = arith.constant 0 : i32
      %dma_start3A_370 = tpu.memref_slice %arg6[%dma_start3A_368, %dma_start3A_369] : memref<768x32xf32, #tpu.memory_space<vmem>> -> memref<730x32xf32, #tpu.memory_space<vmem>>
      tpu.enqueue_dma source(%dma_start3A_370 : memref<730x32xf32, #tpu.memory_space<vmem>>) target(%dma_start3A_367 : memref<730x32xf32, #tpu.memory_space<hbm>>) target_semaphore(%arg14 : memref<!tpu.dma_semaphore, #tpu.memory_space<semaphore_mem>>)
      %dma_wait3A_371 = arith.constant 0 : i32
      %dma_wait3A_372 = arith.constant 0 : i32
      %dma_wait3A_373 = tpu.memref_slice %arg2[%dma_wait3A_371, %dma_wait3A_372] : memref<1056768x32xf32, #tpu.memory_space<hbm>> -> memref<768x32xf32, #tpu.memory_space<hbm>>
      %dma_wait3A_374 = arith.constant 0 : i32
      %dma_wait3A_375 = arith.constant 0 : i32
      %dma_wait3A_376 = tpu.memref_slice %arg2[%dma_wait3A_374, %dma_wait3A_375] : memref<1056768x32xf32, #tpu.memory_space<hbm>> -> memref<768x32xf32, #tpu.memory_space<hbm>>
      tpu.wait_dma2 semaphore(%arg11 : memref<!tpu.dma_semaphore, #tpu.memory_space<semaphore_mem>>) src(%dma_wait3A_376 : memref<768x32xf32, #tpu.memory_space<hbm>>) dst(%arg7 : memref<768x32xf32, #tpu.memory_space<vmem>>)
      %add3A_377 = arith.addi %mul3A_2, %mul3A_69 : i32
      %add3A_378 = arith.constant 1 : i32
      %add3A_379 = arith.addi %add3A_377, %add3A_378 : i32
      %dma_start3A_380 = arith.constant 0 : i32
      %dma_start3A_381 = arith.constant 0 : i32
      %dma_start3A_382 = tpu.memref_slice %arg7[%dma_start3A_380, %dma_start3A_381] : memref<768x32xf32, #tpu.memory_space<vmem>> -> memref<730x32xf32, #tpu.memory_space<vmem>>
      %dma_start3A_383 = arith.constant 0 : i32
      %dma_start3A_384 = arith.constant 0 : i32
      %dma_start3A_385 = tpu.memref_slice %arg4[%add3A_379, %dma_start3A_383, %dma_start3A_384] : memref<4096x730x32xf32, #tpu.memory_space<hbm>> -> memref<1x730x32xf32, #tpu.memory_space<hbm>>
      %dma_start3A_386 = tpu.memref_squeeze %dma_start3A_385 : memref<1x730x32xf32, #tpu.memory_space<hbm>> -> memref<730x32xf32, #tpu.memory_space<hbm>>
      %dma_start3A_387 = arith.constant 0 : i32
      %dma_start3A_388 = arith.constant 0 : i32
      %dma_start3A_389 = tpu.memref_slice %arg4[%add3A_379, %dma_start3A_387, %dma_start3A_388] : memref<4096x730x32xf32, #tpu.memory_space<hbm>> -> memref<1x730x32xf32, #tpu.memory_space<hbm>>
      %dma_start3A_390 = tpu.memref_squeeze %dma_start3A_389 : memref<1x730x32xf32, #tpu.memory_space<hbm>> -> memref<730x32xf32, #tpu.memory_space<hbm>>
      %dma_start3A_391 = arith.constant 0 : i32
      %dma_start3A_392 = arith.constant 0 : i32
      %dma_start3A_393 = tpu.memref_slice %arg7[%dma_start3A_391, %dma_start3A_392] : memref<768x32xf32, #tpu.memory_space<vmem>> -> memref<730x32xf32, #tpu.memory_space<vmem>>
      tpu.enqueue_dma source(%dma_start3A_393 : memref<730x32xf32, #tpu.memory_space<vmem>>) target(%dma_start3A_390 : memref<730x32xf32, #tpu.memory_space<hbm>>) target_semaphore(%arg15 : memref<!tpu.dma_semaphore, #tpu.memory_space<semaphore_mem>>)
      %dma_wait3A_394 = arith.constant 0 : i32
      %dma_wait3A_395 = arith.constant 0 : i32
      %dma_wait3A_396 = tpu.memref_slice %arg2[%dma_wait3A_394, %dma_wait3A_395] : memref<1056768x32xf32, #tpu.memory_space<hbm>> -> memref<768x32xf32, #tpu.memory_space<hbm>>
      %dma_wait3A_397 = arith.constant 0 : i32
      %dma_wait3A_398 = arith.constant 0 : i32
      %dma_wait3A_399 = tpu.memref_slice %arg2[%dma_wait3A_397, %dma_wait3A_398] : memref<1056768x32xf32, #tpu.memory_space<hbm>> -> memref<768x32xf32, #tpu.memory_space<hbm>>
      tpu.wait_dma2 semaphore(%arg12 : memref<!tpu.dma_semaphore, #tpu.memory_space<semaphore_mem>>) src(%dma_wait3A_399 : memref<768x32xf32, #tpu.memory_space<hbm>>) dst(%arg8 : memref<768x32xf32, #tpu.memory_space<vmem>>)
      %add3A_400 = arith.addi %mul3A_2, %mul3A_69 : i32
      %add3A_401 = arith.constant 2 : i32
      %add3A_402 = arith.addi %add3A_400, %add3A_401 : i32
      %dma_start3A_403 = arith.constant 0 : i32
      %dma_start3A_404 = arith.constant 0 : i32
      %dma_start3A_405 = tpu.memref_slice %arg8[%dma_start3A_403, %dma_start3A_404] : memref<768x32xf32, #tpu.memory_space<vmem>> -> memref<730x32xf32, #tpu.memory_space<vmem>>
      %dma_start3A_406 = arith.constant 0 : i32
      %dma_start3A_407 = arith.constant 0 : i32
      %dma_start3A_408 = tpu.memref_slice %arg4[%add3A_402, %dma_start3A_406, %dma_start3A_407] : memref<4096x730x32xf32, #tpu.memory_space<hbm>> -> memref<1x730x32xf32, #tpu.memory_space<hbm>>
      %dma_start3A_409 = tpu.memref_squeeze %dma_start3A_408 : memref<1x730x32xf32, #tpu.memory_space<hbm>> -> memref<730x32xf32, #tpu.memory_space<hbm>>
      %dma_start3A_410 = arith.constant 0 : i32
      %dma_start3A_411 = arith.constant 0 : i32
      %dma_start3A_412 = tpu.memref_slice %arg4[%add3A_402, %dma_start3A_410, %dma_start3A_411] : memref<4096x730x32xf32, #tpu.memory_space<hbm>> -> memref<1x730x32xf32, #tpu.memory_space<hbm>>
      %dma_start3A_413 = tpu.memref_squeeze %dma_start3A_412 : memref<1x730x32xf32, #tpu.memory_space<hbm>> -> memref<730x32xf32, #tpu.memory_space<hbm>>
      %dma_start3A_414 = arith.constant 0 : i32
      %dma_start3A_415 = arith.constant 0 : i32
      %dma_start3A_416 = tpu.memref_slice %arg8[%dma_start3A_414, %dma_start3A_415] : memref<768x32xf32, #tpu.memory_space<vmem>> -> memref<730x32xf32, #tpu.memory_space<vmem>>
      tpu.enqueue_dma source(%dma_start3A_416 : memref<730x32xf32, #tpu.memory_space<vmem>>) target(%dma_start3A_413 : memref<730x32xf32, #tpu.memory_space<hbm>>) target_semaphore(%arg16 : memref<!tpu.dma_semaphore, #tpu.memory_space<semaphore_mem>>)
      %dma_wait3A_417 = arith.constant 0 : i32
      %dma_wait3A_418 = arith.constant 0 : i32
      %dma_wait3A_419 = tpu.memref_slice %arg2[%dma_wait3A_417, %dma_wait3A_418] : memref<1056768x32xf32, #tpu.memory_space<hbm>> -> memref<768x32xf32, #tpu.memory_space<hbm>>
      %dma_wait3A_420 = arith.constant 0 : i32
      %dma_wait3A_421 = arith.constant 0 : i32
      %dma_wait3A_422 = tpu.memref_slice %arg2[%dma_wait3A_420, %dma_wait3A_421] : memref<1056768x32xf32, #tpu.memory_space<hbm>> -> memref<768x32xf32, #tpu.memory_space<hbm>>
      tpu.wait_dma2 semaphore(%arg13 : memref<!tpu.dma_semaphore, #tpu.memory_space<semaphore_mem>>) src(%dma_wait3A_422 : memref<768x32xf32, #tpu.memory_space<hbm>>) dst(%arg9 : memref<768x32xf32, #tpu.memory_space<vmem>>)
      %add3A_423 = arith.addi %mul3A_2, %mul3A_69 : i32
      %add3A_424 = arith.constant 3 : i32
      %add3A_425 = arith.addi %add3A_423, %add3A_424 : i32
      %dma_start3A_426 = arith.constant 0 : i32
      %dma_start3A_427 = arith.constant 0 : i32
      %dma_start3A_428 = tpu.memref_slice %arg9[%dma_start3A_426, %dma_start3A_427] : memref<768x32xf32, #tpu.memory_space<vmem>> -> memref<730x32xf32, #tpu.memory_space<vmem>>
      %dma_start3A_429 = arith.constant 0 : i32
      %dma_start3A_430 = arith.constant 0 : i32
      %dma_start3A_431 = tpu.memref_slice %arg4[%add3A_425, %dma_start3A_429, %dma_start3A_430] : memref<4096x730x32xf32, #tpu.memory_space<hbm>> -> memref<1x730x32xf32, #tpu.memory_space<hbm>>
      %dma_start3A_432 = tpu.memref_squeeze %dma_start3A_431 : memref<1x730x32xf32, #tpu.memory_space<hbm>> -> memref<730x32xf32, #tpu.memory_space<hbm>>
      %dma_start3A_433 = arith.constant 0 : i32
      %dma_start3A_434 = arith.constant 0 : i32
      %dma_start3A_435 = tpu.memref_slice %arg4[%add3A_425, %dma_start3A_433, %dma_start3A_434] : memref<4096x730x32xf32, #tpu.memory_space<hbm>> -> memref<1x730x32xf32, #tpu.memory_space<hbm>>
      %dma_start3A_436 = tpu.memref_squeeze %dma_start3A_435 : memref<1x730x32xf32, #tpu.memory_space<hbm>> -> memref<730x32xf32, #tpu.memory_space<hbm>>
      %dma_start3A_437 = arith.constant 0 : i32
      %dma_start3A_438 = arith.constant 0 : i32
      %dma_start3A_439 = tpu.memref_slice %arg9[%dma_start3A_437, %dma_start3A_438] : memref<768x32xf32, #tpu.memory_space<vmem>> -> memref<730x32xf32, #tpu.memory_space<vmem>>
      tpu.enqueue_dma source(%dma_start3A_439 : memref<730x32xf32, #tpu.memory_space<vmem>>) target(%dma_start3A_436 : memref<730x32xf32, #tpu.memory_space<hbm>>) target_semaphore(%arg17 : memref<!tpu.dma_semaphore, #tpu.memory_space<semaphore_mem>>)
    }
    %scan3A_7 = arith.constant 32 : i32
    %dma_wait3A = arith.constant 0 : i32
    %dma_wait3A_8 = arith.constant 0 : i32
    %dma_wait3A_9 = arith.constant 0 : i32
    %dma_wait3A_10 = tpu.memref_slice %arg6[%dma_wait3A_8, %dma_wait3A_9] : memref<768x32xf32, #tpu.memory_space<vmem>> -> memref<730x32xf32, #tpu.memory_space<vmem>>
    %dma_wait3A_11 = arith.constant 0 : i32
    %dma_wait3A_12 = arith.constant 0 : i32
    %dma_wait3A_13 = tpu.memref_slice %arg4[%dma_wait3A, %dma_wait3A_11, %dma_wait3A_12] : memref<4096x730x32xf32, #tpu.memory_space<hbm>> -> memref<1x730x32xf32, #tpu.memory_space<hbm>>
    %dma_wait3A_14 = tpu.memref_squeeze %dma_wait3A_13 : memref<1x730x32xf32, #tpu.memory_space<hbm>> -> memref<730x32xf32, #tpu.memory_space<hbm>>
    %dma_wait3A_15 = arith.constant 0 : i32
    %dma_wait3A_16 = arith.constant 0 : i32
    %dma_wait3A_17 = tpu.memref_slice %arg6[%dma_wait3A_15, %dma_wait3A_16] : memref<768x32xf32, #tpu.memory_space<vmem>> -> memref<730x32xf32, #tpu.memory_space<vmem>>
    %dma_wait3A_18 = arith.constant 0 : i32
    %dma_wait3A_19 = arith.constant 0 : i32
    %dma_wait3A_20 = tpu.memref_slice %arg4[%dma_wait3A, %dma_wait3A_18, %dma_wait3A_19] : memref<4096x730x32xf32, #tpu.memory_space<hbm>> -> memref<1x730x32xf32, #tpu.memory_space<hbm>>
    %dma_wait3A_21 = tpu.memref_squeeze %dma_wait3A_20 : memref<1x730x32xf32, #tpu.memory_space<hbm>> -> memref<730x32xf32, #tpu.memory_space<hbm>>
    tpu.wait_dma2 semaphore(%arg14 : memref<!tpu.dma_semaphore, #tpu.memory_space<semaphore_mem>>) src(%dma_wait3A_21 : memref<730x32xf32, #tpu.memory_space<hbm>>) dst(%dma_wait3A_17 : memref<730x32xf32, #tpu.memory_space<vmem>>)
    %dma_wait3A_22 = arith.constant 0 : i32
    %dma_wait3A_23 = arith.constant 0 : i32
    %dma_wait3A_24 = arith.constant 0 : i32
    %dma_wait3A_25 = tpu.memref_slice %arg6[%dma_wait3A_23, %dma_wait3A_24] : memref<768x32xf32, #tpu.memory_space<vmem>> -> memref<730x32xf32, #tpu.memory_space<vmem>>
    %dma_wait3A_26 = arith.constant 0 : i32
    %dma_wait3A_27 = arith.constant 0 : i32
    %dma_wait3A_28 = tpu.memref_slice %arg4[%dma_wait3A_22, %dma_wait3A_26, %dma_wait3A_27] : memref<4096x730x32xf32, #tpu.memory_space<hbm>> -> memref<1x730x32xf32, #tpu.memory_space<hbm>>
    %dma_wait3A_29 = tpu.memref_squeeze %dma_wait3A_28 : memref<1x730x32xf32, #tpu.memory_space<hbm>> -> memref<730x32xf32, #tpu.memory_space<hbm>>
    %dma_wait3A_30 = arith.constant 0 : i32
    %dma_wait3A_31 = arith.constant 0 : i32
    %dma_wait3A_32 = tpu.memref_slice %arg6[%dma_wait3A_30, %dma_wait3A_31] : memref<768x32xf32, #tpu.memory_space<vmem>> -> memref<730x32xf32, #tpu.memory_space<vmem>>
    %dma_wait3A_33 = arith.constant 0 : i32
    %dma_wait3A_34 = arith.constant 0 : i32
    %dma_wait3A_35 = tpu.memref_slice %arg4[%dma_wait3A_22, %dma_wait3A_33, %dma_wait3A_34] : memref<4096x730x32xf32, #tpu.memory_space<hbm>> -> memref<1x730x32xf32, #tpu.memory_space<hbm>>
    %dma_wait3A_36 = tpu.memref_squeeze %dma_wait3A_35 : memref<1x730x32xf32, #tpu.memory_space<hbm>> -> memref<730x32xf32, #tpu.memory_space<hbm>>
    tpu.wait_dma2 semaphore(%arg15 : memref<!tpu.dma_semaphore, #tpu.memory_space<semaphore_mem>>) src(%dma_wait3A_36 : memref<730x32xf32, #tpu.memory_space<hbm>>) dst(%dma_wait3A_32 : memref<730x32xf32, #tpu.memory_space<vmem>>)
    %dma_wait3A_37 = arith.constant 0 : i32
    %dma_wait3A_38 = arith.constant 0 : i32
    %dma_wait3A_39 = arith.constant 0 : i32
    %dma_wait3A_40 = tpu.memref_slice %arg6[%dma_wait3A_38, %dma_wait3A_39] : memref<768x32xf32, #tpu.memory_space<vmem>> -> memref<730x32xf32, #tpu.memory_space<vmem>>
    %dma_wait3A_41 = arith.constant 0 : i32
    %dma_wait3A_42 = arith.constant 0 : i32
    %dma_wait3A_43 = tpu.memref_slice %arg4[%dma_wait3A_37, %dma_wait3A_41, %dma_wait3A_42] : memref<4096x730x32xf32, #tpu.memory_space<hbm>> -> memref<1x730x32xf32, #tpu.memory_space<hbm>>
    %dma_wait3A_44 = tpu.memref_squeeze %dma_wait3A_43 : memref<1x730x32xf32, #tpu.memory_space<hbm>> -> memref<730x32xf32, #tpu.memory_space<hbm>>
    %dma_wait3A_45 = arith.constant 0 : i32
    %dma_wait3A_46 = arith.constant 0 : i32
    %dma_wait3A_47 = tpu.memref_slice %arg6[%dma_wait3A_45, %dma_wait3A_46] : memref<768x32xf32, #tpu.memory_space<vmem>> -> memref<730x32xf32, #tpu.memory_space<vmem>>
    %dma_wait3A_48 = arith.constant 0 : i32
    %dma_wait3A_49 = arith.constant 0 : i32
    %dma_wait3A_50 = tpu.memref_slice %arg4[%dma_wait3A_37, %dma_wait3A_48, %dma_wait3A_49] : memref<4096x730x32xf32, #tpu.memory_space<hbm>> -> memref<1x730x32xf32, #tpu.memory_space<hbm>>
    %dma_wait3A_51 = tpu.memref_squeeze %dma_wait3A_50 : memref<1x730x32xf32, #tpu.memory_space<hbm>> -> memref<730x32xf32, #tpu.memory_space<hbm>>
    tpu.wait_dma2 semaphore(%arg16 : memref<!tpu.dma_semaphore, #tpu.memory_space<semaphore_mem>>) src(%dma_wait3A_51 : memref<730x32xf32, #tpu.memory_space<hbm>>) dst(%dma_wait3A_47 : memref<730x32xf32, #tpu.memory_space<vmem>>)
    %dma_wait3A_52 = arith.constant 0 : i32
    %dma_wait3A_53 = arith.constant 0 : i32
    %dma_wait3A_54 = arith.constant 0 : i32
    %dma_wait3A_55 = tpu.memref_slice %arg6[%dma_wait3A_53, %dma_wait3A_54] : memref<768x32xf32, #tpu.memory_space<vmem>> -> memref<730x32xf32, #tpu.memory_space<vmem>>
    %dma_wait3A_56 = arith.constant 0 : i32
    %dma_wait3A_57 = arith.constant 0 : i32
    %dma_wait3A_58 = tpu.memref_slice %arg4[%dma_wait3A_52, %dma_wait3A_56, %dma_wait3A_57] : memref<4096x730x32xf32, #tpu.memory_space<hbm>> -> memref<1x730x32xf32, #tpu.memory_space<hbm>>
    %dma_wait3A_59 = tpu.memref_squeeze %dma_wait3A_58 : memref<1x730x32xf32, #tpu.memory_space<hbm>> -> memref<730x32xf32, #tpu.memory_space<hbm>>
    %dma_wait3A_60 = arith.constant 0 : i32
    %dma_wait3A_61 = arith.constant 0 : i32
    %dma_wait3A_62 = tpu.memref_slice %arg6[%dma_wait3A_60, %dma_wait3A_61] : memref<768x32xf32, #tpu.memory_space<vmem>> -> memref<730x32xf32, #tpu.memory_space<vmem>>
    %dma_wait3A_63 = arith.constant 0 : i32
    %dma_wait3A_64 = arith.constant 0 : i32
    %dma_wait3A_65 = tpu.memref_slice %arg4[%dma_wait3A_52, %dma_wait3A_63, %dma_wait3A_64] : memref<4096x730x32xf32, #tpu.memory_space<hbm>> -> memref<1x730x32xf32, #tpu.memory_space<hbm>>
    %dma_wait3A_66 = tpu.memref_squeeze %dma_wait3A_65 : memref<1x730x32xf32, #tpu.memory_space<hbm>> -> memref<730x32xf32, #tpu.memory_space<hbm>>
    tpu.wait_dma2 semaphore(%arg17 : memref<!tpu.dma_semaphore, #tpu.memory_space<semaphore_mem>>) src(%dma_wait3A_66 : memref<730x32xf32, #tpu.memory_space<hbm>>) dst(%dma_wait3A_62 : memref<730x32xf32, #tpu.memory_space<vmem>>)
    return
  }
}

module attributes {stable_mosaic.version = 14 : i64} {
  func.func @_idx_mask_body(%arg0: i32, %arg1: memref<256x2xi32, #tpu.memory_space<vmem>>, %arg2: memref<256x6x128xi32, #tpu.memory_space<vmem>>, %arg3: memref<256x729xi8, #tpu.memory_space<vmem>>) attributes {dimension_semantics = [#tpu.dimension_semantics<arbitrary>], iteration_bounds = array<i64: 16>, scalar_prefetch = 0 : i64, scratch_operands = 0 : i64, tpu.core_type = #tpu.core_type<tc>, window_params = [{transform_indices = @transform_0, window_bounds = array<i64: 256, 2>}, {transform_indices = @transform_1, window_bounds = array<i64: 256, 6, 128>}, {transform_indices = @transform_2, window_bounds = array<i64: 256, 729>}]} {
    %get3A = arith.constant 0 : index
    %get3A_0 = arith.constant 0 : index
    %get3A_1 = vector.load %arg1[%get3A, %get3A_0] : memref<256x2xi32, #tpu.memory_space<vmem>>, vector<256x1xi32>
    %get3A_2 = vector.shape_cast %get3A_1 : vector<256x1xi32> to vector<256xi32>
    %reshape3A = vector.shape_cast %get3A_2 : vector<256xi32> to vector<256x1x1xi32>
    %get3A_3 = arith.constant 0 : index
    %get3A_4 = arith.constant 1 : index
    %get3A_5 = vector.load %arg1[%get3A_3, %get3A_4] : memref<256x2xi32, #tpu.memory_space<vmem>>, vector<256x1xi32>
    %get3A_6 = vector.shape_cast %get3A_5 : vector<256x1xi32> to vector<256xi32>
    %reshape3A_7 = vector.shape_cast %get3A_6 : vector<256xi32> to vector<256x1x1xi32>
    %iota3A = tpu.iota {dimensions = array<i32: 1>} : vector<1x6x128xi32>
    %mul3A = arith.constant 128 : i32
    %mul3A_8 = vector.broadcast %mul3A : i32 to vector<1x6x128xi32>
    %mul3A_9 = arith.muli %iota3A, %mul3A_8 : vector<1x6x128xi32>
    %iota3A_10 = tpu.iota {dimensions = array<i32: 2>} : vector<1x6x128xi32>
    %add3A = arith.addi %mul3A_9, %iota3A_10 : vector<1x6x128xi32>
    %jit3A = arith.constant 27 : i32
    %div3A = vector.broadcast %jit3A : i32 to vector<1x6x128xi32>
    %div3A_11 = arith.divsi %add3A, %div3A : vector<1x6x128xi32>
    %sign3A = arith.constant 0 : i32
    %sign3A_12 = vector.broadcast %sign3A : i32 to vector<1x6x128xi32>
    %sign3A_13 = arith.cmpi sgt, %add3A, %sign3A_12 : vector<1x6x128xi32>
    %sign3A_14 = arith.extui %sign3A_13 : vector<1x6x128xi1> to vector<1x6x128xi32>
    %sign3A_15 = arith.constant 0 : i32
    %sign3A_16 = vector.broadcast %sign3A_15 : i32 to vector<1x6x128xi32>
    %sign3A_17 = arith.cmpi slt, %add3A, %sign3A_16 : vector<1x6x128xi32>
    %sign3A_18 = arith.extui %sign3A_17 : vector<1x6x128xi1> to vector<1x6x128xi32>
    %sign3A_19 = arith.subi %sign3A_14, %sign3A_18 : vector<1x6x128xi32>
    %sign3A_20 = arith.constant 0 : i32
    %sign3A_21 = arith.cmpi sgt, %jit3A, %sign3A_20 : i32
    %sign3A_22 = arith.extui %sign3A_21 : i1 to i32
    %sign3A_23 = arith.constant 0 : i32
    %sign3A_24 = arith.cmpi slt, %jit3A, %sign3A_23 : i32
    %sign3A_25 = arith.extui %sign3A_24 : i1 to i32
    %sign3A_26 = arith.subi %sign3A_22, %sign3A_25 : i32
    %ne3A = vector.broadcast %sign3A_26 : i32 to vector<1x6x128xi32>
    %ne3A_27 = arith.cmpi ne, %sign3A_19, %ne3A : vector<1x6x128xi32>
    %rem3A = vector.broadcast %jit3A : i32 to vector<1x6x128xi32>
    %rem3A_28 = arith.remsi %add3A, %rem3A : vector<1x6x128xi32>
    %ne3A_29 = arith.constant 0 : i32
    %ne3A_30 = vector.broadcast %ne3A_29 : i32 to vector<1x6x128xi32>
    %ne3A_31 = arith.cmpi ne, %rem3A_28, %ne3A_30 : vector<1x6x128xi32>
    %and3A = arith.andi %ne3A_27, %ne3A_31 : vector<1x6x128xi1>
    %sub3A = arith.constant 1 : i32
    %sub3A_32 = vector.broadcast %sub3A : i32 to vector<1x6x128xi32>
    %sub3A_33 = arith.subi %div3A_11, %sub3A_32 : vector<1x6x128xi32>
    %select_n3A = arith.select %and3A, %sub3A_33, %div3A_11 : vector<1x6x128xi1>, vector<1x6x128xi32>
    %sub3A_34 = arith.constant 13 : i32
    %sub3A_35 = vector.broadcast %sub3A_34 : i32 to vector<1x6x128xi32>
    %sub3A_36 = arith.subi %select_n3A, %sub3A_35 : vector<1x6x128xi32>
    %jit3A_37 = arith.constant 27 : i32
    %eq3A = arith.constant 0 : i32
    %eq3A_38 = arith.cmpi eq, %jit3A_37, %eq3A : i32
    %jit3A_39 = arith.constant 1 : i32
    %select_n3A_40 = arith.select %eq3A_38, %jit3A_39, %jit3A_37 : i32
    %rem3A_41 = vector.broadcast %select_n3A_40 : i32 to vector<1x6x128xi32>
    %rem3A_42 = arith.remsi %add3A, %rem3A_41 : vector<1x6x128xi32>
    %ne3A_43 = arith.constant 0 : i32
    %ne3A_44 = vector.broadcast %ne3A_43 : i32 to vector<1x6x128xi32>
    %ne3A_45 = arith.cmpi ne, %rem3A_42, %ne3A_44 : vector<1x6x128xi32>
    %lt3A = arith.constant 0 : i32
    %lt3A_46 = vector.broadcast %lt3A : i32 to vector<1x6x128xi32>
    %lt3A_47 = arith.cmpi slt, %rem3A_42, %lt3A_46 : vector<1x6x128xi32>
    %lt3A_48 = arith.constant 0 : i32
    %lt3A_49 = arith.cmpi slt, %select_n3A_40, %lt3A_48 : i32
    %ne3A_50 = vector.broadcast %lt3A_49 : i1 to vector<1x6x128xi1>
    %ne3A_51 = vector.broadcast %ne3A_50 : vector<1x6x128xi1> to vector<1x6x128xi1>
    %ne3A_52 = arith.xori %lt3A_47, %ne3A_51 : vector<1x6x128xi1>
    %and3A_53 = arith.andi %ne3A_52, %ne3A_45 : vector<1x6x128xi1>
    %add3A_54 = vector.broadcast %select_n3A_40 : i32 to vector<1x6x128xi32>
    %add3A_55 = arith.addi %rem3A_42, %add3A_54 : vector<1x6x128xi32>
    %select_n3A_56 = arith.select %and3A_53, %add3A_55, %rem3A_42 : vector<1x6x128xi1>, vector<1x6x128xi32>
    %sub3A_57 = arith.constant 13 : i32
    %sub3A_58 = vector.broadcast %sub3A_57 : i32 to vector<1x6x128xi32>
    %sub3A_59 = arith.subi %select_n3A_56, %sub3A_58 : vector<1x6x128xi32>
    %add3A_60 = vector.broadcast %reshape3A : vector<256x1x1xi32> to vector<256x6x128xi32>
    %add3A_61 = vector.broadcast %sub3A_36 : vector<1x6x128xi32> to vector<256x6x128xi32>
    %add3A_62 = arith.addi %add3A_60, %add3A_61 : vector<256x6x128xi32>
    %add3A_63 = vector.broadcast %reshape3A_7 : vector<256x1x1xi32> to vector<256x6x128xi32>
    %add3A_64 = vector.broadcast %sub3A_59 : vector<1x6x128xi32> to vector<256x6x128xi32>
    %add3A_65 = arith.addi %add3A_63, %add3A_64 : vector<256x6x128xi32>
    %lt3A_66 = arith.constant 0 : i32
    %lt3A_67 = vector.broadcast %lt3A_66 : i32 to vector<256x6x128xi32>
    %lt3A_68 = arith.cmpi slt, %add3A_62, %lt3A_67 : vector<256x6x128xi32>
    %ge3A = arith.constant 1024 : i32
    %ge3A_69 = vector.broadcast %ge3A : i32 to vector<256x6x128xi32>
    %ge3A_70 = arith.cmpi sge, %add3A_62, %ge3A_69 : vector<256x6x128xi32>
    %or3A = arith.ori %lt3A_68, %ge3A_70 : vector<256x6x128xi1>
    %lt3A_71 = arith.constant 0 : i32
    %lt3A_72 = vector.broadcast %lt3A_71 : i32 to vector<256x6x128xi32>
    %lt3A_73 = arith.cmpi slt, %add3A_65, %lt3A_72 : vector<256x6x128xi32>
    %or3A_74 = arith.ori %or3A, %lt3A_73 : vector<256x6x128xi1>
    %ge3A_75 = arith.constant 1024 : i32
    %ge3A_76 = vector.broadcast %ge3A_75 : i32 to vector<256x6x128xi32>
    %ge3A_77 = arith.cmpi sge, %add3A_65, %ge3A_76 : vector<256x6x128xi32>
    %or3A_78 = arith.ori %or3A_74, %ge3A_77 : vector<256x6x128xi1>
    %jit3A_79 = arith.constant 0 : i32
    %jit3A_80 = arith.constant 1023 : i32
    %max3A = vector.broadcast %jit3A_79 : i32 to vector<256x6x128xi32>
    %max3A_81 = arith.maxsi %max3A, %add3A_62 : vector<256x6x128xi32>
    %min3A = vector.broadcast %jit3A_80 : i32 to vector<256x6x128xi32>
    %min3A_82 = arith.minsi %min3A, %max3A_81 : vector<256x6x128xi32>
    %jit3A_83 = arith.constant 0 : i32
    %jit3A_84 = arith.constant 1023 : i32
    %max3A_85 = vector.broadcast %jit3A_83 : i32 to vector<256x6x128xi32>
    %max3A_86 = arith.maxsi %max3A_85, %add3A_65 : vector<256x6x128xi32>
    %min3A_87 = vector.broadcast %jit3A_84 : i32 to vector<256x6x128xi32>
    %min3A_88 = arith.minsi %min3A_87, %max3A_86 : vector<256x6x128xi32>
    %mul3A_89 = arith.constant 1024 : i32
    %mul3A_90 = vector.broadcast %mul3A_89 : i32 to vector<256x6x128xi32>
    %mul3A_91 = arith.muli %min3A_82, %mul3A_90 : vector<256x6x128xi32>
    %add3A_92 = arith.constant 8192 : i32
    %add3A_93 = vector.broadcast %add3A_92 : i32 to vector<256x6x128xi32>
    %add3A_94 = arith.addi %add3A_93, %mul3A_91 : vector<256x6x128xi32>
    %jit3A_95 = arith.constant 256 : i32
    %eq3A_96 = arith.constant 0 : i32
    %eq3A_97 = arith.cmpi eq, %jit3A_95, %eq3A_96 : i32
    %jit3A_98 = arith.constant 1 : i32
    %select_n3A_99 = arith.select %eq3A_97, %jit3A_98, %jit3A_95 : i32
    %rem3A_100 = vector.broadcast %select_n3A_99 : i32 to vector<256x6x128xi32>
    %rem3A_101 = arith.remsi %min3A_88, %rem3A_100 : vector<256x6x128xi32>
    %ne3A_102 = arith.constant 0 : i32
    %ne3A_103 = vector.broadcast %ne3A_102 : i32 to vector<256x6x128xi32>
    %ne3A_104 = arith.cmpi ne, %rem3A_101, %ne3A_103 : vector<256x6x128xi32>
    %lt3A_105 = arith.constant 0 : i32
    %lt3A_106 = vector.broadcast %lt3A_105 : i32 to vector<256x6x128xi32>
    %lt3A_107 = arith.cmpi slt, %rem3A_101, %lt3A_106 : vector<256x6x128xi32>
    %lt3A_108 = arith.constant 0 : i32
    %lt3A_109 = arith.cmpi slt, %select_n3A_99, %lt3A_108 : i32
    %ne3A_110 = vector.broadcast %lt3A_109 : i1 to vector<256x6x128xi1>
    %ne3A_111 = vector.broadcast %ne3A_110 : vector<256x6x128xi1> to vector<256x6x128xi1>
    %ne3A_112 = arith.xori %lt3A_107, %ne3A_111 : vector<256x6x128xi1>
    %and3A_113 = arith.andi %ne3A_112, %ne3A_104 : vector<256x6x128xi1>
    %add3A_114 = vector.broadcast %select_n3A_99 : i32 to vector<256x6x128xi32>
    %add3A_115 = arith.addi %rem3A_101, %add3A_114 : vector<256x6x128xi32>
    %select_n3A_116 = arith.select %and3A_113, %add3A_115, %rem3A_101 : vector<256x6x128xi1>, vector<256x6x128xi32>
    %mul3A_117 = arith.constant 4 : i32
    %mul3A_118 = vector.broadcast %mul3A_117 : i32 to vector<256x6x128xi32>
    %mul3A_119 = arith.muli %mul3A_118, %select_n3A_116 : vector<256x6x128xi32>
    %add3A_120 = arith.addi %add3A_94, %mul3A_119 : vector<256x6x128xi32>
    %jit3A_121 = arith.constant 256 : i32
    %div3A_122 = vector.broadcast %jit3A_121 : i32 to vector<256x6x128xi32>
    %div3A_123 = arith.divsi %min3A_88, %div3A_122 : vector<256x6x128xi32>
    %sign3A_124 = arith.constant 0 : i32
    %sign3A_125 = vector.broadcast %sign3A_124 : i32 to vector<256x6x128xi32>
    %sign3A_126 = arith.cmpi sgt, %min3A_88, %sign3A_125 : vector<256x6x128xi32>
    %sign3A_127 = arith.extui %sign3A_126 : vector<256x6x128xi1> to vector<256x6x128xi32>
    %sign3A_128 = arith.constant 0 : i32
    %sign3A_129 = vector.broadcast %sign3A_128 : i32 to vector<256x6x128xi32>
    %sign3A_130 = arith.cmpi slt, %min3A_88, %sign3A_129 : vector<256x6x128xi32>
    %sign3A_131 = arith.extui %sign3A_130 : vector<256x6x128xi1> to vector<256x6x128xi32>
    %sign3A_132 = arith.subi %sign3A_127, %sign3A_131 : vector<256x6x128xi32>
    %sign3A_133 = arith.constant 0 : i32
    %sign3A_134 = arith.cmpi sgt, %jit3A_121, %sign3A_133 : i32
    %sign3A_135 = arith.extui %sign3A_134 : i1 to i32
    %sign3A_136 = arith.constant 0 : i32
    %sign3A_137 = arith.cmpi slt, %jit3A_121, %sign3A_136 : i32
    %sign3A_138 = arith.extui %sign3A_137 : i1 to i32
    %sign3A_139 = arith.subi %sign3A_135, %sign3A_138 : i32
    %ne3A_140 = vector.broadcast %sign3A_139 : i32 to vector<256x6x128xi32>
    %ne3A_141 = arith.cmpi ne, %sign3A_132, %ne3A_140 : vector<256x6x128xi32>
    %rem3A_142 = vector.broadcast %jit3A_121 : i32 to vector<256x6x128xi32>
    %rem3A_143 = arith.remsi %min3A_88, %rem3A_142 : vector<256x6x128xi32>
    %ne3A_144 = arith.constant 0 : i32
    %ne3A_145 = vector.broadcast %ne3A_144 : i32 to vector<256x6x128xi32>
    %ne3A_146 = arith.cmpi ne, %rem3A_143, %ne3A_145 : vector<256x6x128xi32>
    %and3A_147 = arith.andi %ne3A_141, %ne3A_146 : vector<256x6x128xi1>
    %sub3A_148 = arith.constant 1 : i32
    %sub3A_149 = vector.broadcast %sub3A_148 : i32 to vector<256x6x128xi32>
    %sub3A_150 = arith.subi %div3A_123, %sub3A_149 : vector<256x6x128xi32>
    %select_n3A_151 = arith.select %and3A_147, %sub3A_150, %div3A_123 : vector<256x6x128xi1>, vector<256x6x128xi32>
    %add3A_152 = arith.addi %add3A_120, %select_n3A_151 : vector<256x6x128xi32>
    %jit3A_153 = arith.constant 0 : i32
    %broadcast_in_dim3A = vector.broadcast %jit3A_153 : i32 to vector<256x6x128xi32>
    %select_n3A_154 = arith.select %or3A_78, %broadcast_in_dim3A, %add3A_152 : vector<256x6x128xi1>, vector<256x6x128xi32>
    %mul3A_155 = arith.constant 256 : i32
    %mul3A_156 = arith.muli %arg0, %mul3A_155 : i32
    %iota3A_157 = tpu.iota {dimensions = array<i32: 0>} : vector<256x6x128xi32>
    %add3A_158 = vector.broadcast %mul3A_156 : i32 to vector<256x6x128xi32>
    %add3A_159 = arith.addi %add3A_158, %iota3A_157 : vector<256x6x128xi32>
    %jit3A_160 = arith.constant 1024 : i32
    %eq3A_161 = arith.constant 0 : i32
    %eq3A_162 = arith.cmpi eq, %jit3A_160, %eq3A_161 : i32
    %jit3A_163 = arith.constant 1 : i32
    %select_n3A_164 = arith.select %eq3A_162, %jit3A_163, %jit3A_160 : i32
    %rem3A_165 = vector.broadcast %select_n3A_164 : i32 to vector<256x6x128xi32>
    %rem3A_166 = arith.remsi %add3A_159, %rem3A_165 : vector<256x6x128xi32>
    %ne3A_167 = arith.constant 0 : i32
    %ne3A_168 = vector.broadcast %ne3A_167 : i32 to vector<256x6x128xi32>
    %ne3A_169 = arith.cmpi ne, %rem3A_166, %ne3A_168 : vector<256x6x128xi32>
    %lt3A_170 = arith.constant 0 : i32
    %lt3A_171 = vector.broadcast %lt3A_170 : i32 to vector<256x6x128xi32>
    %lt3A_172 = arith.cmpi slt, %rem3A_166, %lt3A_171 : vector<256x6x128xi32>
    %lt3A_173 = arith.constant 0 : i32
    %lt3A_174 = arith.cmpi slt, %select_n3A_164, %lt3A_173 : i32
    %ne3A_175 = vector.broadcast %lt3A_174 : i1 to vector<256x6x128xi1>
    %ne3A_176 = vector.broadcast %ne3A_175 : vector<256x6x128xi1> to vector<256x6x128xi1>
    %ne3A_177 = arith.xori %lt3A_172, %ne3A_176 : vector<256x6x128xi1>
    %and3A_178 = arith.andi %ne3A_177, %ne3A_169 : vector<256x6x128xi1>
    %add3A_179 = vector.broadcast %select_n3A_164 : i32 to vector<256x6x128xi32>
    %add3A_180 = arith.addi %rem3A_166, %add3A_179 : vector<256x6x128xi32>
    %select_n3A_181 = arith.select %and3A_178, %add3A_180, %rem3A_166 : vector<256x6x128xi1>, vector<256x6x128xi32>
    %jit3A_182 = arith.constant 1024 : i32
    %div3A_183 = vector.broadcast %jit3A_182 : i32 to vector<256x6x128xi32>
    %div3A_184 = arith.divsi %add3A_159, %div3A_183 : vector<256x6x128xi32>
    %sign3A_185 = arith.constant 0 : i32
    %sign3A_186 = vector.broadcast %sign3A_185 : i32 to vector<256x6x128xi32>
    %sign3A_187 = arith.cmpi sgt, %add3A_159, %sign3A_186 : vector<256x6x128xi32>
    %sign3A_188 = arith.extui %sign3A_187 : vector<256x6x128xi1> to vector<256x6x128xi32>
    %sign3A_189 = arith.constant 0 : i32
    %sign3A_190 = vector.broadcast %sign3A_189 : i32 to vector<256x6x128xi32>
    %sign3A_191 = arith.cmpi slt, %add3A_159, %sign3A_190 : vector<256x6x128xi32>
    %sign3A_192 = arith.extui %sign3A_191 : vector<256x6x128xi1> to vector<256x6x128xi32>
    %sign3A_193 = arith.subi %sign3A_188, %sign3A_192 : vector<256x6x128xi32>
    %sign3A_194 = arith.constant 0 : i32
    %sign3A_195 = arith.cmpi sgt, %jit3A_182, %sign3A_194 : i32
    %sign3A_196 = arith.extui %sign3A_195 : i1 to i32
    %sign3A_197 = arith.constant 0 : i32
    %sign3A_198 = arith.cmpi slt, %jit3A_182, %sign3A_197 : i32
    %sign3A_199 = arith.extui %sign3A_198 : i1 to i32
    %sign3A_200 = arith.subi %sign3A_196, %sign3A_199 : i32
    %ne3A_201 = vector.broadcast %sign3A_200 : i32 to vector<256x6x128xi32>
    %ne3A_202 = arith.cmpi ne, %sign3A_193, %ne3A_201 : vector<256x6x128xi32>
    %rem3A_203 = vector.broadcast %jit3A_182 : i32 to vector<256x6x128xi32>
    %rem3A_204 = arith.remsi %add3A_159, %rem3A_203 : vector<256x6x128xi32>
    %ne3A_205 = arith.constant 0 : i32
    %ne3A_206 = vector.broadcast %ne3A_205 : i32 to vector<256x6x128xi32>
    %ne3A_207 = arith.cmpi ne, %rem3A_204, %ne3A_206 : vector<256x6x128xi32>
    %and3A_208 = arith.andi %ne3A_202, %ne3A_207 : vector<256x6x128xi1>
    %sub3A_209 = arith.constant 1 : i32
    %sub3A_210 = vector.broadcast %sub3A_209 : i32 to vector<256x6x128xi32>
    %sub3A_211 = arith.subi %div3A_184, %sub3A_210 : vector<256x6x128xi32>
    %select_n3A_212 = arith.select %and3A_208, %sub3A_211, %div3A_184 : vector<256x6x128xi1>, vector<256x6x128xi32>
    %mul3A_213 = arith.constant 1024 : i32
    %mul3A_214 = vector.broadcast %mul3A_213 : i32 to vector<256x6x128xi32>
    %mul3A_215 = arith.muli %select_n3A_212, %mul3A_214 : vector<256x6x128xi32>
    %add3A_216 = arith.constant 4096 : i32
    %add3A_217 = vector.broadcast %add3A_216 : i32 to vector<256x6x128xi32>
    %add3A_218 = arith.addi %add3A_217, %mul3A_215 : vector<256x6x128xi32>
    %jit3A_219 = arith.constant 256 : i32
    %eq3A_220 = arith.constant 0 : i32
    %eq3A_221 = arith.cmpi eq, %jit3A_219, %eq3A_220 : i32
    %jit3A_222 = arith.constant 1 : i32
    %select_n3A_223 = arith.select %eq3A_221, %jit3A_222, %jit3A_219 : i32
    %rem3A_224 = vector.broadcast %select_n3A_223 : i32 to vector<256x6x128xi32>
    %rem3A_225 = arith.remsi %select_n3A_181, %rem3A_224 : vector<256x6x128xi32>
    %ne3A_226 = arith.constant 0 : i32
    %ne3A_227 = vector.broadcast %ne3A_226 : i32 to vector<256x6x128xi32>
    %ne3A_228 = arith.cmpi ne, %rem3A_225, %ne3A_227 : vector<256x6x128xi32>
    %lt3A_229 = arith.constant 0 : i32
    %lt3A_230 = vector.broadcast %lt3A_229 : i32 to vector<256x6x128xi32>
    %lt3A_231 = arith.cmpi slt, %rem3A_225, %lt3A_230 : vector<256x6x128xi32>
    %lt3A_232 = arith.constant 0 : i32
    %lt3A_233 = arith.cmpi slt, %select_n3A_223, %lt3A_232 : i32
    %ne3A_234 = vector.broadcast %lt3A_233 : i1 to vector<256x6x128xi1>
    %ne3A_235 = vector.broadcast %ne3A_234 : vector<256x6x128xi1> to vector<256x6x128xi1>
    %ne3A_236 = arith.xori %lt3A_231, %ne3A_235 : vector<256x6x128xi1>
    %and3A_237 = arith.andi %ne3A_236, %ne3A_228 : vector<256x6x128xi1>
    %add3A_238 = vector.broadcast %select_n3A_223 : i32 to vector<256x6x128xi32>
    %add3A_239 = arith.addi %rem3A_225, %add3A_238 : vector<256x6x128xi32>
    %select_n3A_240 = arith.select %and3A_237, %add3A_239, %rem3A_225 : vector<256x6x128xi1>, vector<256x6x128xi32>
    %mul3A_241 = arith.constant 4 : i32
    %mul3A_242 = vector.broadcast %mul3A_241 : i32 to vector<256x6x128xi32>
    %mul3A_243 = arith.muli %mul3A_242, %select_n3A_240 : vector<256x6x128xi32>
    %add3A_244 = arith.addi %add3A_218, %mul3A_243 : vector<256x6x128xi32>
    %jit3A_245 = arith.constant 256 : i32
    %div3A_246 = vector.broadcast %jit3A_245 : i32 to vector<256x6x128xi32>
    %div3A_247 = arith.divsi %select_n3A_181, %div3A_246 : vector<256x6x128xi32>
    %sign3A_248 = arith.constant 0 : i32
    %sign3A_249 = vector.broadcast %sign3A_248 : i32 to vector<256x6x128xi32>
    %sign3A_250 = arith.cmpi sgt, %select_n3A_181, %sign3A_249 : vector<256x6x128xi32>
    %sign3A_251 = arith.extui %sign3A_250 : vector<256x6x128xi1> to vector<256x6x128xi32>
    %sign3A_252 = arith.constant 0 : i32
    %sign3A_253 = vector.broadcast %sign3A_252 : i32 to vector<256x6x128xi32>
    %sign3A_254 = arith.cmpi slt, %select_n3A_181, %sign3A_253 : vector<256x6x128xi32>
    %sign3A_255 = arith.extui %sign3A_254 : vector<256x6x128xi1> to vector<256x6x128xi32>
    %sign3A_256 = arith.subi %sign3A_251, %sign3A_255 : vector<256x6x128xi32>
    %sign3A_257 = arith.constant 0 : i32
    %sign3A_258 = arith.cmpi sgt, %jit3A_245, %sign3A_257 : i32
    %sign3A_259 = arith.extui %sign3A_258 : i1 to i32
    %sign3A_260 = arith.constant 0 : i32
    %sign3A_261 = arith.cmpi slt, %jit3A_245, %sign3A_260 : i32
    %sign3A_262 = arith.extui %sign3A_261 : i1 to i32
    %sign3A_263 = arith.subi %sign3A_259, %sign3A_262 : i32
    %ne3A_264 = vector.broadcast %sign3A_263 : i32 to vector<256x6x128xi32>
    %ne3A_265 = arith.cmpi ne, %sign3A_256, %ne3A_264 : vector<256x6x128xi32>
    %rem3A_266 = vector.broadcast %jit3A_245 : i32 to vector<256x6x128xi32>
    %rem3A_267 = arith.remsi %select_n3A_181, %rem3A_266 : vector<256x6x128xi32>
    %ne3A_268 = arith.constant 0 : i32
    %ne3A_269 = vector.broadcast %ne3A_268 : i32 to vector<256x6x128xi32>
    %ne3A_270 = arith.cmpi ne, %rem3A_267, %ne3A_269 : vector<256x6x128xi32>
    %and3A_271 = arith.andi %ne3A_265, %ne3A_270 : vector<256x6x128xi1>
    %sub3A_272 = arith.constant 1 : i32
    %sub3A_273 = vector.broadcast %sub3A_272 : i32 to vector<256x6x128xi32>
    %sub3A_274 = arith.subi %div3A_247, %sub3A_273 : vector<256x6x128xi32>
    %select_n3A_275 = arith.select %and3A_271, %sub3A_274, %div3A_247 : vector<256x6x128xi1>, vector<256x6x128xi32>
    %add3A_276 = arith.addi %add3A_244, %select_n3A_275 : vector<256x6x128xi32>
    %eq3A_277 = arith.constant 729 : i32
    %eq3A_278 = vector.broadcast %eq3A_277 : i32 to vector<1x6x128xi32>
    %eq3A_279 = arith.cmpi eq, %add3A, %eq3A_278 : vector<1x6x128xi32>
    %gt3A = arith.constant 729 : i32
    %gt3A_280 = vector.broadcast %gt3A : i32 to vector<1x6x128xi32>
    %gt3A_281 = arith.cmpi sgt, %add3A, %gt3A_280 : vector<1x6x128xi32>
    %jit3A_282 = arith.constant 0 : i32
    %broadcast_in_dim3A_283 = vector.shape_cast %gt3A_281 : vector<1x6x128xi1> to vector<1x6x128xi1>
    %broadcast_in_dim3A_284 = vector.broadcast %broadcast_in_dim3A_283 : vector<1x6x128xi1> to vector<256x6x128xi1>
    %broadcast_in_dim3A_285 = vector.broadcast %jit3A_282 : i32 to vector<256x6x128xi32>
    %select_n3A_286 = arith.select %broadcast_in_dim3A_284, %broadcast_in_dim3A_285, %select_n3A_154 : vector<256x6x128xi1>, vector<256x6x128xi32>
    %broadcast_in_dim3A_287 = vector.shape_cast %eq3A_279 : vector<1x6x128xi1> to vector<1x6x128xi1>
    %broadcast_in_dim3A_288 = vector.broadcast %broadcast_in_dim3A_287 : vector<1x6x128xi1> to vector<256x6x128xi1>
    %select_n3A_289 = arith.select %broadcast_in_dim3A_288, %add3A_276, %select_n3A_286 : vector<256x6x128xi1>, vector<256x6x128xi32>
    %swap3A = arith.constant 0 : index
    %swap3A_290 = arith.constant 0 : index
    %swap3A_291 = arith.constant 0 : index
    %swap3A_292 = vector.load %arg2[%swap3A, %swap3A_290, %swap3A_291] : memref<256x6x128xi32, #tpu.memory_space<vmem>>, vector<256x6x128xi32>
    tpu.vector_store %arg2[%swap3A, %swap3A_290, %swap3A_291], %select_n3A_289 {strides = array<i32>} : memref<256x6x128xi32, #tpu.memory_space<vmem>>, vector<256x6x128xi32>,
    %iota3A_293 = tpu.iota {dimensions = array<i32: 1>} : vector<1x729xi32>
    %reshape3A_294 = vector.shape_cast %reshape3A : vector<256x1x1xi32> to vector<256x1xi32>
    %jit3A_295 = arith.constant 27 : i32
    %div3A_296 = vector.broadcast %jit3A_295 : i32 to vector<1x729xi32>
    %div3A_297 = arith.divsi %iota3A_293, %div3A_296 : vector<1x729xi32>
    %sign3A_298 = arith.constant 0 : i32
    %sign3A_299 = vector.broadcast %sign3A_298 : i32 to vector<1x729xi32>
    %sign3A_300 = arith.cmpi sgt, %iota3A_293, %sign3A_299 : vector<1x729xi32>
    %sign3A_301 = arith.extui %sign3A_300 : vector<1x729xi1> to vector<1x729xi32>
    %sign3A_302 = arith.constant 0 : i32
    %sign3A_303 = vector.broadcast %sign3A_302 : i32 to vector<1x729xi32>
    %sign3A_304 = arith.cmpi slt, %iota3A_293, %sign3A_303 : vector<1x729xi32>
    %sign3A_305 = arith.extui %sign3A_304 : vector<1x729xi1> to vector<1x729xi32>
    %sign3A_306 = arith.subi %sign3A_301, %sign3A_305 : vector<1x729xi32>
    %sign3A_307 = arith.constant 0 : i32
    %sign3A_308 = arith.cmpi sgt, %jit3A_295, %sign3A_307 : i32
    %sign3A_309 = arith.extui %sign3A_308 : i1 to i32
    %sign3A_310 = arith.constant 0 : i32
    %sign3A_311 = arith.cmpi slt, %jit3A_295, %sign3A_310 : i32
    %sign3A_312 = arith.extui %sign3A_311 : i1 to i32
    %sign3A_313 = arith.subi %sign3A_309, %sign3A_312 : i32
    %ne3A_314 = vector.broadcast %sign3A_313 : i32 to vector<1x729xi32>
    %ne3A_315 = arith.cmpi ne, %sign3A_306, %ne3A_314 : vector<1x729xi32>
    %rem3A_316 = vector.broadcast %jit3A_295 : i32 to vector<1x729xi32>
    %rem3A_317 = arith.remsi %iota3A_293, %rem3A_316 : vector<1x729xi32>
    %ne3A_318 = arith.constant 0 : i32
    %ne3A_319 = vector.broadcast %ne3A_318 : i32 to vector<1x729xi32>
    %ne3A_320 = arith.cmpi ne, %rem3A_317, %ne3A_319 : vector<1x729xi32>
    %and3A_321 = arith.andi %ne3A_315, %ne3A_320 : vector<1x729xi1>
    %sub3A_322 = arith.constant 1 : i32
    %sub3A_323 = vector.broadcast %sub3A_322 : i32 to vector<1x729xi32>
    %sub3A_324 = arith.subi %div3A_297, %sub3A_323 : vector<1x729xi32>
    %select_n3A_325 = arith.select %and3A_321, %sub3A_324, %div3A_297 : vector<1x729xi1>, vector<1x729xi32>
    %sub3A_326 = arith.constant 13 : i32
    %sub3A_327 = vector.broadcast %sub3A_326 : i32 to vector<1x729xi32>
    %sub3A_328 = arith.subi %select_n3A_325, %sub3A_327 : vector<1x729xi32>
    %add3A_329 = vector.broadcast %reshape3A_294 : vector<256x1xi32> to vector<256x729xi32>
    %add3A_330 = vector.broadcast %sub3A_328 : vector<1x729xi32> to vector<256x729xi32>
    %add3A_331 = arith.addi %add3A_329, %add3A_330 : vector<256x729xi32>
    %reshape3A_332 = vector.shape_cast %reshape3A_7 : vector<256x1x1xi32> to vector<256x1xi32>
    %jit3A_333 = arith.constant 27 : i32
    %eq3A_334 = arith.constant 0 : i32
    %eq3A_335 = arith.cmpi eq, %jit3A_333, %eq3A_334 : i32
    %jit3A_336 = arith.constant 1 : i32
    %select_n3A_337 = arith.select %eq3A_335, %jit3A_336, %jit3A_333 : i32
    %rem3A_338 = vector.broadcast %select_n3A_337 : i32 to vector<1x729xi32>
    %rem3A_339 = arith.remsi %iota3A_293, %rem3A_338 : vector<1x729xi32>
    %ne3A_340 = arith.constant 0 : i32
    %ne3A_341 = vector.broadcast %ne3A_340 : i32 to vector<1x729xi32>
    %ne3A_342 = arith.cmpi ne, %rem3A_339, %ne3A_341 : vector<1x729xi32>
    %lt3A_343 = arith.constant 0 : i32
    %lt3A_344 = vector.broadcast %lt3A_343 : i32 to vector<1x729xi32>
    %lt3A_345 = arith.cmpi slt, %rem3A_339, %lt3A_344 : vector<1x729xi32>
    %lt3A_346 = arith.constant 0 : i32
    %lt3A_347 = arith.cmpi slt, %select_n3A_337, %lt3A_346 : i32
    %ne3A_348 = vector.broadcast %lt3A_347 : i1 to vector<1x729xi1>
    %ne3A_349 = vector.broadcast %ne3A_348 : vector<1x729xi1> to vector<1x729xi1>
    %ne3A_350 = arith.xori %lt3A_345, %ne3A_349 : vector<1x729xi1>
    %and3A_351 = arith.andi %ne3A_350, %ne3A_342 : vector<1x729xi1>
    %add3A_352 = vector.broadcast %select_n3A_337 : i32 to vector<1x729xi32>
    %add3A_353 = arith.addi %rem3A_339, %add3A_352 : vector<1x729xi32>
    %select_n3A_354 = arith.select %and3A_351, %add3A_353, %rem3A_339 : vector<1x729xi1>, vector<1x729xi32>
    %sub3A_355 = arith.constant 13 : i32
    %sub3A_356 = vector.broadcast %sub3A_355 : i32 to vector<1x729xi32>
    %sub3A_357 = arith.subi %select_n3A_354, %sub3A_356 : vector<1x729xi32>
    %add3A_358 = vector.broadcast %reshape3A_332 : vector<256x1xi32> to vector<256x729xi32>
    %add3A_359 = vector.broadcast %sub3A_357 : vector<1x729xi32> to vector<256x729xi32>
    %add3A_360 = arith.addi %add3A_358, %add3A_359 : vector<256x729xi32>
    %ge3A_361 = arith.constant 0 : i32
    %ge3A_362 = vector.broadcast %ge3A_361 : i32 to vector<256x729xi32>
    %ge3A_363 = arith.cmpi sge, %add3A_331, %ge3A_362 : vector<256x729xi32>
    %lt3A_364 = arith.constant 1024 : i32
    %lt3A_365 = vector.broadcast %lt3A_364 : i32 to vector<256x729xi32>
    %lt3A_366 = arith.cmpi slt, %add3A_331, %lt3A_365 : vector<256x729xi32>
    %and3A_367 = arith.andi %ge3A_363, %lt3A_366 : vector<256x729xi1>
    %ge3A_368 = arith.constant 0 : i32
    %ge3A_369 = vector.broadcast %ge3A_368 : i32 to vector<256x729xi32>
    %ge3A_370 = arith.cmpi sge, %add3A_360, %ge3A_369 : vector<256x729xi32>
    %and3A_371 = arith.andi %and3A_367, %ge3A_370 : vector<256x729xi1>
    %lt3A_372 = arith.constant 1024 : i32
    %lt3A_373 = vector.broadcast %lt3A_372 : i32 to vector<256x729xi32>
    %lt3A_374 = arith.cmpi slt, %add3A_360, %lt3A_373 : vector<256x729xi32>
    %and3A_375 = arith.andi %and3A_371, %lt3A_374 : vector<256x729xi1>
    %convert_element_type3A = arith.extui %and3A_375 : vector<256x729xi1> to vector<256x729xi8>
    %swap3A_376 = arith.constant 0 : index
    %swap3A_377 = arith.constant 0 : index
    %swap3A_378 = vector.load %arg3[%swap3A_376, %swap3A_377] : memref<256x729xi8, #tpu.memory_space<vmem>>, vector<256x729xi8>
    tpu.vector_store %arg3[%swap3A_376, %swap3A_377], %convert_element_type3A {strides = array<i32>} : memref<256x729xi8, #tpu.memory_space<vmem>>, vector<256x729xi8>,
    return
  }
  func.func @transform_0(%arg0: i32) -> (i32, i32) {
    %c0_i32 = arith.constant 0 : i32
    %c0_i32_0 = arith.constant 0 : i32
    return %arg0, %c0_i32 : i32, i32
  }
  func.func @transform_1(%arg0: i32) -> (i32, i32, i32) {
    %c0_i32 = arith.constant 0 : i32
    %c0_i32_0 = arith.constant 0 : i32
    %c0_i32_1 = arith.constant 0 : i32
    return %arg0, %c0_i32, %c0_i32_0 : i32, i32, i32
  }
  func.func @transform_2(%arg0: i32) -> (i32, i32) {
    %c0_i32 = arith.constant 0 : i32
    %c0_i32_0 = arith.constant 0 : i32
    return %arg0, %c0_i32 : i32, i32
  }
}

module attributes {stable_mosaic.version = 14 : i64} {
  func.func @_pack_body(%arg0: i32, %arg1: memref<4x32x1024xf32, #tpu.memory_space<vmem>>, %arg2: memref<32x4096xf32, #tpu.memory_space<vmem>>, %arg3: memref<1x32xf32, #tpu.memory_space<vmem>>, %arg4: memref<1024x128xf32, #tpu.memory_space<vmem>>) attributes {dimension_semantics = [#tpu.dimension_semantics<arbitrary>], iteration_bounds = array<i64: 258>, scalar_prefetch = 0 : i64, scratch_operands = 0 : i64, tpu.core_type = #tpu.core_type<tc>, window_params = [{transform_indices = @transform_0, window_bounds = array<i64: 4, 32, 1024>}, {pipeline_mode = #tpu.pipeline_mode<synchronous>, transform_indices = @transform_1, window_bounds = array<i64: 32, 4096>}, {pipeline_mode = #tpu.pipeline_mode<synchronous>, transform_indices = @transform_2, window_bounds = array<i64: 1, 32>}, {transform_indices = @transform_3, window_bounds = array<i64: 1024, 128>}]} {
    %eq3A = arith.constant 0 : i32
    %eq3A_0 = arith.cmpi eq, %arg0, %eq3A : i32
    %convert_element_type3A = arith.extui %eq3A_0 : i1 to i32
    %cond3A = arith.constant 0 : i32
    %cond3A_1 = arith.cmpi ne, %convert_element_type3A, %cond3A : i32
    scf.if %cond3A_1 {
      %get3A = arith.constant 0 : index
      %get3A_11 = arith.constant 0 : index
      %get3A_12 = vector.load %arg3[%get3A, %get3A_11] : memref<1x32xf32, #tpu.memory_space<vmem>>, vector<1x32xf32>
      %concatenate3A = tpu.concatenate %get3A_12, %get3A_12, %get3A_12, %get3A_12 in 1 : vector<1x32xf32>, vector<1x32xf32>, vector<1x32xf32>, vector<1x32xf32> -> vector<1x128xf32>
      %broadcast_in_dim3A = vector.shape_cast %concatenate3A : vector<1x128xf32> to vector<1x128xf32>
      %broadcast_in_dim3A_13 = vector.broadcast %broadcast_in_dim3A : vector<1x128xf32> to vector<1024x128xf32>
      %swap3A = arith.constant 0 : index
      %swap3A_14 = arith.constant 0 : index
      %swap3A_15 = vector.load %arg4[%swap3A, %swap3A_14] : memref<1024x128xf32, #tpu.memory_space<vmem>>, vector<1024x128xf32>
      tpu.vector_store %arg4[%swap3A, %swap3A_14], %broadcast_in_dim3A_13 {strides = array<i32>} : memref<1024x128xf32, #tpu.memory_space<vmem>>, vector<1024x128xf32>,
    } else {
    }
    %eq3A_2 = arith.constant 1 : i32
    %eq3A_3 = arith.cmpi eq, %arg0, %eq3A_2 : i32
    %convert_element_type3A_4 = arith.extui %eq3A_3 : i1 to i32
    %cond3A_5 = arith.constant 0 : i32
    %cond3A_6 = arith.cmpi ne, %convert_element_type3A_4, %cond3A_5 : i32
    scf.if %cond3A_6 {
      %get3A = arith.constant 0 : index
      %get3A_11 = arith.constant 0 : index
      %get3A_12 = vector.load %arg2[%get3A, %get3A_11] : memref<32x4096xf32, #tpu.memory_space<vmem>>, vector<32x4096xf32>
      %slice3A = vector.extract_strided_slice %get3A_12 {offsets = [0, 0], sizes = [32, 1024], strides = [1, 1]} : vector<32x4096xf32> to vector<32x1024xf32>
      %slice3A_13 = vector.extract_strided_slice %slice3A {offsets = [0, 0], sizes = [32, 256], strides = [1, 1]} : vector<32x1024xf32> to vector<32x256xf32>
      %transpose3A = tpu.transpose %slice3A_13, [1, 0] : vector<32x256xf32> -> vector<256x32xf32>
      %slice3A_14 = vector.extract_strided_slice %slice3A {offsets = [0, 256], sizes = [32, 256], strides = [1, 1]} : vector<32x1024xf32> to vector<32x256xf32>
      %transpose3A_15 = tpu.transpose %slice3A_14, [1, 0] : vector<32x256xf32> -> vector<256x32xf32>
      %slice3A_16 = vector.extract_strided_slice %slice3A {offsets = [0, 512], sizes = [32, 256], strides = [1, 1]} : vector<32x1024xf32> to vector<32x256xf32>
      %transpose3A_17 = tpu.transpose %slice3A_16, [1, 0] : vector<32x256xf32> -> vector<256x32xf32>
      %slice3A_18 = vector.extract_strided_slice %slice3A {offsets = [0, 768], sizes = [32, 256], strides = [1, 1]} : vector<32x1024xf32> to vector<32x256xf32>
      %transpose3A_19 = tpu.transpose %slice3A_18, [1, 0] : vector<32x256xf32> -> vector<256x32xf32>
      %concatenate3A = tpu.concatenate %transpose3A, %transpose3A_15, %transpose3A_17, %transpose3A_19 in 1 : vector<256x32xf32>, vector<256x32xf32>, vector<256x32xf32>, vector<256x32xf32> -> vector<256x128xf32>
      %slice3A_20 = vector.extract_strided_slice %get3A_12 {offsets = [0, 1024], sizes = [32, 1024], strides = [1, 1]} : vector<32x4096xf32> to vector<32x1024xf32>
      %slice3A_21 = vector.extract_strided_slice %slice3A_20 {offsets = [0, 0], sizes = [32, 256], strides = [1, 1]} : vector<32x1024xf32> to vector<32x256xf32>
      %transpose3A_22 = tpu.transpose %slice3A_21, [1, 0] : vector<32x256xf32> -> vector<256x32xf32>
      %slice3A_23 = vector.extract_strided_slice %slice3A_20 {offsets = [0, 256], sizes = [32, 256], strides = [1, 1]} : vector<32x1024xf32> to vector<32x256xf32>
      %transpose3A_24 = tpu.transpose %slice3A_23, [1, 0] : vector<32x256xf32> -> vector<256x32xf32>
      %slice3A_25 = vector.extract_strided_slice %slice3A_20 {offsets = [0, 512], sizes = [32, 256], strides = [1, 1]} : vector<32x1024xf32> to vector<32x256xf32>
      %transpose3A_26 = tpu.transpose %slice3A_25, [1, 0] : vector<32x256xf32> -> vector<256x32xf32>
      %slice3A_27 = vector.extract_strided_slice %slice3A_20 {offsets = [0, 768], sizes = [32, 256], strides = [1, 1]} : vector<32x1024xf32> to vector<32x256xf32>
      %transpose3A_28 = tpu.transpose %slice3A_27, [1, 0] : vector<32x256xf32> -> vector<256x32xf32>
      %concatenate3A_29 = tpu.concatenate %transpose3A_22, %transpose3A_24, %transpose3A_26, %transpose3A_28 in 1 : vector<256x32xf32>, vector<256x32xf32>, vector<256x32xf32>, vector<256x32xf32> -> vector<256x128xf32>
      %slice3A_30 = vector.extract_strided_slice %get3A_12 {offsets = [0, 2048], sizes = [32, 1024], strides = [1, 1]} : vector<32x4096xf32> to vector<32x1024xf32>
      %slice3A_31 = vector.extract_strided_slice %slice3A_30 {offsets = [0, 0], sizes = [32, 256], strides = [1, 1]} : vector<32x1024xf32> to vector<32x256xf32>
      %transpose3A_32 = tpu.transpose %slice3A_31, [1, 0] : vector<32x256xf32> -> vector<256x32xf32>
      %slice3A_33 = vector.extract_strided_slice %slice3A_30 {offsets = [0, 256], sizes = [32, 256], strides = [1, 1]} : vector<32x1024xf32> to vector<32x256xf32>
      %transpose3A_34 = tpu.transpose %slice3A_33, [1, 0] : vector<32x256xf32> -> vector<256x32xf32>
      %slice3A_35 = vector.extract_strided_slice %slice3A_30 {offsets = [0, 512], sizes = [32, 256], strides = [1, 1]} : vector<32x1024xf32> to vector<32x256xf32>
      %transpose3A_36 = tpu.transpose %slice3A_35, [1, 0] : vector<32x256xf32> -> vector<256x32xf32>
      %slice3A_37 = vector.extract_strided_slice %slice3A_30 {offsets = [0, 768], sizes = [32, 256], strides = [1, 1]} : vector<32x1024xf32> to vector<32x256xf32>
      %transpose3A_38 = tpu.transpose %slice3A_37, [1, 0] : vector<32x256xf32> -> vector<256x32xf32>
      %concatenate3A_39 = tpu.concatenate %transpose3A_32, %transpose3A_34, %transpose3A_36, %transpose3A_38 in 1 : vector<256x32xf32>, vector<256x32xf32>, vector<256x32xf32>, vector<256x32xf32> -> vector<256x128xf32>
      %slice3A_40 = vector.extract_strided_slice %get3A_12 {offsets = [0, 3072], sizes = [32, 1024], strides = [1, 1]} : vector<32x4096xf32> to vector<32x1024xf32>
      %slice3A_41 = vector.extract_strided_slice %slice3A_40 {offsets = [0, 0], sizes = [32, 256], strides = [1, 1]} : vector<32x1024xf32> to vector<32x256xf32>
      %transpose3A_42 = tpu.transpose %slice3A_41, [1, 0] : vector<32x256xf32> -> vector<256x32xf32>
      %slice3A_43 = vector.extract_strided_slice %slice3A_40 {offsets = [0, 256], sizes = [32, 256], strides = [1, 1]} : vector<32x1024xf32> to vector<32x256xf32>
      %transpose3A_44 = tpu.transpose %slice3A_43, [1, 0] : vector<32x256xf32> -> vector<256x32xf32>
      %slice3A_45 = vector.extract_strided_slice %slice3A_40 {offsets = [0, 512], sizes = [32, 256], strides = [1, 1]} : vector<32x1024xf32> to vector<32x256xf32>
      %transpose3A_46 = tpu.transpose %slice3A_45, [1, 0] : vector<32x256xf32> -> vector<256x32xf32>
      %slice3A_47 = vector.extract_strided_slice %slice3A_40 {offsets = [0, 768], sizes = [32, 256], strides = [1, 1]} : vector<32x1024xf32> to vector<32x256xf32>
      %transpose3A_48 = tpu.transpose %slice3A_47, [1, 0] : vector<32x256xf32> -> vector<256x32xf32>
      %concatenate3A_49 = tpu.concatenate %transpose3A_42, %transpose3A_44, %transpose3A_46, %transpose3A_48 in 1 : vector<256x32xf32>, vector<256x32xf32>, vector<256x32xf32>, vector<256x32xf32> -> vector<256x128xf32>
      %concatenate3A_50 = tpu.concatenate %concatenate3A, %concatenate3A_29, %concatenate3A_39, %concatenate3A_49 in 0 : vector<256x128xf32>, vector<256x128xf32>, vector<256x128xf32>, vector<256x128xf32> -> vector<1024x128xf32>
      %swap3A = arith.constant 0 : index
      %swap3A_51 = arith.constant 0 : index
      %swap3A_52 = vector.load %arg4[%swap3A, %swap3A_51] : memref<1024x128xf32, #tpu.memory_space<vmem>>, vector<1024x128xf32>
      tpu.vector_store %arg4[%swap3A, %swap3A_51], %concatenate3A_50 {strides = array<i32>} : memref<1024x128xf32, #tpu.memory_space<vmem>>, vector<1024x128xf32>,
    } else {
    }
    %ge3A = arith.constant 2 : i32
    %ge3A_7 = arith.cmpi sge, %arg0, %ge3A : i32
    %convert_element_type3A_8 = arith.extui %ge3A_7 : i1 to i32
    %cond3A_9 = arith.constant 0 : i32
    %cond3A_10 = arith.cmpi ne, %convert_element_type3A_8, %cond3A_9 : i32
    scf.if %cond3A_10 {
      %get3A = arith.constant 0 : index
      %get3A_11 = arith.constant 0 : index
      %get3A_12 = arith.constant 0 : index
      %get3A_13 = vector.load %arg1[%get3A, %get3A_11, %get3A_12] : memref<4x32x1024xf32, #tpu.memory_space<vmem>>, vector<4x32x1024xf32>
      %slice3A = vector.extract_strided_slice %get3A_13 {offsets = [0, 0, 0], sizes = [1, 32, 1024], strides = [1, 1, 1]} : vector<4x32x1024xf32> to vector<1x32x1024xf32>
      %squeeze3A = vector.shape_cast %slice3A : vector<1x32x1024xf32> to vector<32x1024xf32>
      %slice3A_14 = vector.extract_strided_slice %squeeze3A {offsets = [0, 0], sizes = [32, 256], strides = [1, 1]} : vector<32x1024xf32> to vector<32x256xf32>
      %transpose3A = tpu.transpose %slice3A_14, [1, 0] : vector<32x256xf32> -> vector<256x32xf32>
      %slice3A_15 = vector.extract_strided_slice %squeeze3A {offsets = [0, 256], sizes = [32, 256], strides = [1, 1]} : vector<32x1024xf32> to vector<32x256xf32>
      %transpose3A_16 = tpu.transpose %slice3A_15, [1, 0] : vector<32x256xf32> -> vector<256x32xf32>
      %slice3A_17 = vector.extract_strided_slice %squeeze3A {offsets = [0, 512], sizes = [32, 256], strides = [1, 1]} : vector<32x1024xf32> to vector<32x256xf32>
      %transpose3A_18 = tpu.transpose %slice3A_17, [1, 0] : vector<32x256xf32> -> vector<256x32xf32>
      %slice3A_19 = vector.extract_strided_slice %squeeze3A {offsets = [0, 768], sizes = [32, 256], strides = [1, 1]} : vector<32x1024xf32> to vector<32x256xf32>
      %transpose3A_20 = tpu.transpose %slice3A_19, [1, 0] : vector<32x256xf32> -> vector<256x32xf32>
      %concatenate3A = tpu.concatenate %transpose3A, %transpose3A_16, %transpose3A_18, %transpose3A_20 in 1 : vector<256x32xf32>, vector<256x32xf32>, vector<256x32xf32>, vector<256x32xf32> -> vector<256x128xf32>
      %slice3A_21 = vector.extract_strided_slice %get3A_13 {offsets = [1, 0, 0], sizes = [1, 32, 1024], strides = [1, 1, 1]} : vector<4x32x1024xf32> to vector<1x32x1024xf32>
      %squeeze3A_22 = vector.shape_cast %slice3A_21 : vector<1x32x1024xf32> to vector<32x1024xf32>
      %slice3A_23 = vector.extract_strided_slice %squeeze3A_22 {offsets = [0, 0], sizes = [32, 256], strides = [1, 1]} : vector<32x1024xf32> to vector<32x256xf32>
      %transpose3A_24 = tpu.transpose %slice3A_23, [1, 0] : vector<32x256xf32> -> vector<256x32xf32>
      %slice3A_25 = vector.extract_strided_slice %squeeze3A_22 {offsets = [0, 256], sizes = [32, 256], strides = [1, 1]} : vector<32x1024xf32> to vector<32x256xf32>
      %transpose3A_26 = tpu.transpose %slice3A_25, [1, 0] : vector<32x256xf32> -> vector<256x32xf32>
      %slice3A_27 = vector.extract_strided_slice %squeeze3A_22 {offsets = [0, 512], sizes = [32, 256], strides = [1, 1]} : vector<32x1024xf32> to vector<32x256xf32>
      %transpose3A_28 = tpu.transpose %slice3A_27, [1, 0] : vector<32x256xf32> -> vector<256x32xf32>
      %slice3A_29 = vector.extract_strided_slice %squeeze3A_22 {offsets = [0, 768], sizes = [32, 256], strides = [1, 1]} : vector<32x1024xf32> to vector<32x256xf32>
      %transpose3A_30 = tpu.transpose %slice3A_29, [1, 0] : vector<32x256xf32> -> vector<256x32xf32>
      %concatenate3A_31 = tpu.concatenate %transpose3A_24, %transpose3A_26, %transpose3A_28, %transpose3A_30 in 1 : vector<256x32xf32>, vector<256x32xf32>, vector<256x32xf32>, vector<256x32xf32> -> vector<256x128xf32>
      %slice3A_32 = vector.extract_strided_slice %get3A_13 {offsets = [2, 0, 0], sizes = [1, 32, 1024], strides = [1, 1, 1]} : vector<4x32x1024xf32> to vector<1x32x1024xf32>
      %squeeze3A_33 = vector.shape_cast %slice3A_32 : vector<1x32x1024xf32> to vector<32x1024xf32>
      %slice3A_34 = vector.extract_strided_slice %squeeze3A_33 {offsets = [0, 0], sizes = [32, 256], strides = [1, 1]} : vector<32x1024xf32> to vector<32x256xf32>
      %transpose3A_35 = tpu.transpose %slice3A_34, [1, 0] : vector<32x256xf32> -> vector<256x32xf32>
      %slice3A_36 = vector.extract_strided_slice %squeeze3A_33 {offsets = [0, 256], sizes = [32, 256], strides = [1, 1]} : vector<32x1024xf32> to vector<32x256xf32>
      %transpose3A_37 = tpu.transpose %slice3A_36, [1, 0] : vector<32x256xf32> -> vector<256x32xf32>
      %slice3A_38 = vector.extract_strided_slice %squeeze3A_33 {offsets = [0, 512], sizes = [32, 256], strides = [1, 1]} : vector<32x1024xf32> to vector<32x256xf32>
      %transpose3A_39 = tpu.transpose %slice3A_38, [1, 0] : vector<32x256xf32> -> vector<256x32xf32>
      %slice3A_40 = vector.extract_strided_slice %squeeze3A_33 {offsets = [0, 768], sizes = [32, 256], strides = [1, 1]} : vector<32x1024xf32> to vector<32x256xf32>
      %transpose3A_41 = tpu.transpose %slice3A_40, [1, 0] : vector<32x256xf32> -> vector<256x32xf32>
      %concatenate3A_42 = tpu.concatenate %transpose3A_35, %transpose3A_37, %transpose3A_39, %transpose3A_41 in 1 : vector<256x32xf32>, vector<256x32xf32>, vector<256x32xf32>, vector<256x32xf32> -> vector<256x128xf32>
      %slice3A_43 = vector.extract_strided_slice %get3A_13 {offsets = [3, 0, 0], sizes = [1, 32, 1024], strides = [1, 1, 1]} : vector<4x32x1024xf32> to vector<1x32x1024xf32>
      %squeeze3A_44 = vector.shape_cast %slice3A_43 : vector<1x32x1024xf32> to vector<32x1024xf32>
      %slice3A_45 = vector.extract_strided_slice %squeeze3A_44 {offsets = [0, 0], sizes = [32, 256], strides = [1, 1]} : vector<32x1024xf32> to vector<32x256xf32>
      %transpose3A_46 = tpu.transpose %slice3A_45, [1, 0] : vector<32x256xf32> -> vector<256x32xf32>
      %slice3A_47 = vector.extract_strided_slice %squeeze3A_44 {offsets = [0, 256], sizes = [32, 256], strides = [1, 1]} : vector<32x1024xf32> to vector<32x256xf32>
      %transpose3A_48 = tpu.transpose %slice3A_47, [1, 0] : vector<32x256xf32> -> vector<256x32xf32>
      %slice3A_49 = vector.extract_strided_slice %squeeze3A_44 {offsets = [0, 512], sizes = [32, 256], strides = [1, 1]} : vector<32x1024xf32> to vector<32x256xf32>
      %transpose3A_50 = tpu.transpose %slice3A_49, [1, 0] : vector<32x256xf32> -> vector<256x32xf32>
      %slice3A_51 = vector.extract_strided_slice %squeeze3A_44 {offsets = [0, 768], sizes = [32, 256], strides = [1, 1]} : vector<32x1024xf32> to vector<32x256xf32>
      %transpose3A_52 = tpu.transpose %slice3A_51, [1, 0] : vector<32x256xf32> -> vector<256x32xf32>
      %concatenate3A_53 = tpu.concatenate %transpose3A_46, %transpose3A_48, %transpose3A_50, %transpose3A_52 in 1 : vector<256x32xf32>, vector<256x32xf32>, vector<256x32xf32>, vector<256x32xf32> -> vector<256x128xf32>
      %concatenate3A_54 = tpu.concatenate %concatenate3A, %concatenate3A_31, %concatenate3A_42, %concatenate3A_53 in 0 : vector<256x128xf32>, vector<256x128xf32>, vector<256x128xf32>, vector<256x128xf32> -> vector<1024x128xf32>
      %swap3A = arith.constant 0 : index
      %swap3A_55 = arith.constant 0 : index
      %swap3A_56 = vector.load %arg4[%swap3A, %swap3A_55] : memref<1024x128xf32, #tpu.memory_space<vmem>>, vector<1024x128xf32>
      tpu.vector_store %arg4[%swap3A, %swap3A_55], %concatenate3A_54 {strides = array<i32>} : memref<1024x128xf32, #tpu.memory_space<vmem>>, vector<1024x128xf32>,
    } else {
    }
    return
  }
  func.func @transform_0(%arg0: i32) -> (i32, i32, i32) {
    %sub3A = arith.constant 2 : i32
    %sub3A_0 = arith.subi %arg0, %sub3A : i32
    %jit3A = arith.constant 0 : i32
    %jit3A_1 = arith.constant 255 : i32
    %max3A = arith.maxsi %jit3A, %sub3A_0 : i32
    %min3A = arith.minsi %jit3A_1, %max3A : i32
    %c0_i32 = arith.constant 0 : i32
    %c0_i32_2 = arith.constant 0 : i32
    %c0_i32_3 = arith.constant 0 : i32
    return %min3A, %c0_i32, %c0_i32_2 : i32, i32, i32
  }
  func.func @transform_1(%arg0: i32) -> (i32, i32) {
    %c0_i32 = arith.constant 0 : i32
    %c0_i32_0 = arith.constant 0 : i32
    %c0_i32_1 = arith.constant 0 : i32
    return %c0_i32, %c0_i32_0 : i32, i32
  }
  func.func @transform_2(%arg0: i32) -> (i32, i32) {
    %c0_i32 = arith.constant 0 : i32
    %c0_i32_0 = arith.constant 0 : i32
    %c0_i32_1 = arith.constant 0 : i32
    return %c0_i32, %c0_i32_0 : i32, i32
  }
  func.func @transform_3(%arg0: i32) -> (i32, i32) {
    %c0_i32 = arith.constant 0 : i32
    %c0_i32_0 = arith.constant 0 : i32
    return %arg0, %c0_i32 : i32, i32
  }
}

</mosaic_0001>

<sc_bundles>
// kernel: kernel.5.cloned.1.call-start
scs
__scs_entry_jumppad:
0x0: {  	(pc) =	sbr.rel $0x88, $3  }
0x1: {  	(tag) =	ssettag $0x0;
	lr =	simm.s32 $0x1  }
0x2: {  	[smem:$0x3F9D] =	sst lr;
	_ =	strace $0xD0000000  }
0x3: {  	_ = 	snop  }
0x4: {  	_ = 	snop  }
0x5: {  	_ = 	snop  }
0x6: {  	_ = 	snop  }
0x7: {  	_ = 	snop  }
__scs_overlays_trampoline_lowered:
0x8: {  	[smem:$0x3FAC] =	sst s0  }
0x9: {  	[smem:$0x3FAD] =	sst s1  }
0xa: {  	[smem:$0x3FAE] =	sst s2  }
0xb: {  	[smem:$0x3FAF] =	sst s3  }
0xc: {  	[smem:$0x3FB0] =	sst s4  }
0xd: {  	[smem:$0x3FB1] =	sst s5  }
0xe: {  	[smem:$0x3FB2] =	sst s6  }
0xf: {  	[smem:$0x3FB3] =	sst s7  }
0x10: {  	[smem:$0x3FB4] =	sst s8  }
0x11: {  	[smem:$0x3FB5] =	sst s9;
	s0 =	simm.s32 @!p0 $0x0  }
0x12: {  	s1 =	sld [smem:$0x3F9B];
	s0 =	simm.s32 @p0 $0x1  }
0x13: {  	[smem:$0x3FB6] =	sst s0;
	s0 =	simm.s32 @!p1 $0x0  }
0x14: {  	s2 =	sld [smem:$0x3F9A];
	s0 =	simm.s32 @p1 $0x1  }
0x15: {  	[smem:$0x3FB7] =	sst s0;
	s0 =	simm.s32 @!p2 $0x0  }
0x16: {  	s3 =	sld [smem:$0x3FDB];
	s0 =	simm.s32 @p2 $0x1  }
0x17: {  	s4 =	simm.s32 $0x1BF5;
	[smem:$0x3FB9] =	sst s0  }
0x18: {  	s0 =	sld [smem:$0x3F9C];
	_ =	swait.ge [sflag:s4], $0x0  }
0x19: {  	s7 =	sld [smem:$0x3F9D]  }
0x1a: {  	s8 =	sadd.s32 $0xFFFFE003, lr  }
0x1b: {  	s9 =	sadd.s32 $0xFFFFFEF7, lr;
	s5 =	simm.s32 $0xFFFFFFFF;
	p2 =	slt.u32 s8, $0xFFFFF086  }
0x1c: {  	p1 =	slt.u32 s9, $0xF7A;
	s5 =	simm.s32 @!p2 $0x0  }
0x1d: {  	s5 =	simm.s32 @p1 $0x1;
	p0 =	seq.s32 s7, s2  }
0x1e: {  	s7 =	smul.u32 @!p0 $0xF7A, s2;
	p2 =	seq.s32 @!p0 s5, $0x0  }
0x1f: {  	s9 =	smul.u32 $0xF7A, s1;
	s8 =	simm.s32 @!p0 $0x1BF5;
	p2 =	por !p2, p0  }
0x20: {  	[sflag:s8] =	ssyncset.s32 @!p0 $0xFFFFF086;
	s6 =	sadd.s32 @!p0 s3, s7;
	s7 =	simm.s32 @!p0 $0x108  }
0x21: {  	s3 =	sadd.s32 s3, s9;
	s6 =	sadd.s32 @!p0 $0x88, s6;
	s7 =	simm.s32 @p2 $0x1082  }
0x22: {  	[simem:s7], [sflag:s8] =	dma.local @!p0 [hbm:s6], $0xF7A  }
0x23: {  	s9 =	sor.u32 $0xD0000000, s2;
	s6 =	simm.s32 $0x108;
	_ =	swait.ge @!p0 [sflag:s8], $0x0  }
0x24: {  	s3 =	sadd.s32 $0x88, s3;
	s6 =	simm.s32 @!p1 $0x1082;
	[sflag:s4] =	ssyncset.s32 $0xFFFFF086  }
0x25: {  	[simem:s6], [sflag:s4] =	dma.local [hbm:s3], $0xF7A  }
0x26: {  	[smem:$0x3F9D] =	sst s1;
	(tag) =	ssettag s2;
	_ =	strace s9  }
0x27: {  	s1 =	sld [smem:$0x3FAD]  }
0x28: {  	s2 =	sld [smem:$0x3FAE]  }
0x29: {  	s4 =	sld [smem:$0x3FB0]  }
0x2a: {  	p0 =	seq.s32 s5, $0x0;
	s5 =	sld [smem:$0x3FB1]  }
0x2b: {  	s6 =	sld [smem:$0x3FB2]  }
0x2c: {  	s7 =	sld [smem:$0x3FB3]  }
0x2d: {  	s3 =	simm.s32 $0x108;
	s8 =	sld [smem:$0x3FB4]  }
0x2e: {  	s3 =	simm.s32 @!p0 $0x1082;
	s9 =	sld [smem:$0x3FB5]  }
0x2f: {  	lr =	sadd.s32 s0, s3;
	s0 =	sld [smem:$0x3FAC]  }
0x30: {  	s3 =	sld [smem:$0x3FAF]  }
0x31: {  	[smem:$0x3FB8] =	sst s10  }
0x32: {  	s10 =	sld [smem:$0x3FB6];
	_ =	sdelay $0x3  }
0x33: {  	p0 =	seq.s32 s10, $0x1;
	s10 =	sld [smem:$0x3FB8];
	_ =	sdelay $0x3  }
0x34: {  	[smem:$0x3FB8] =	sst s10  }
0x35: {  	s10 =	sld [smem:$0x3FB7];
	_ =	sdelay $0x3  }
0x36: {  	p1 =	seq.s32 s10, $0x1;
	s10 =	sld [smem:$0x3FB8];
	_ =	sdelay $0x3  }
0x37: {  	[smem:$0x3FB8] =	sst s10  }
0x38: {  	s10 =	sld [smem:$0x3FB9]  }
0x39: {  	_ = 	snop;
	(pc) =	sbr.ind lr, $3  }
0x3a: {  	_ = 	snop  }
0x3b: {  	_ = 	snop  }
0x3c: {  	p2 =	seq.s32 s10, $0x1;
	s10 =	sld [smem:$0x3FB8]  }
0x3d: {  	_ =	shalt  }
0x3e: {  	_ =	shalt  }
0x3f: {  	_ =	shalt  }
0x40: {  	_ =	shalt  }
0x41: {  	_ =	shalt  }
0x42: {  	_ =	shalt  }
0x43: {  	_ =	shalt  }
0x44: {  	_ =	shalt  }
0x45: {  	_ =	shalt  }
0x46: {  	_ =	shalt  }
0x47: {  	_ =	shalt  }
0x48: {  	_ =	shalt  }
0x49: {  	_ =	shalt  }
0x4a: {  	_ =	shalt  }
0x4b: {  	_ =	shalt  }
0x4c: {  	_ =	shalt  }
0x4d: {  	_ =	shalt  }
0x4e: {  	_ =	shalt  }
0x4f: {  	_ =	shalt  }
0x50: {  	_ =	shalt  }
0x51: {  	_ =	shalt  }
0x52: {  	_ =	shalt  }
0x53: {  	_ =	shalt  }
0x54: {  	_ =	shalt  }
0x55: {  	_ =	shalt  }
0x56: {  	_ =	shalt  }
0x57: {  	_ =	shalt  }
0x58: {  	_ =	shalt  }
0x59: {  	_ =	shalt  }
0x5a: {  	_ =	shalt  }
0x5b: {  	_ =	shalt  }
0x5c: {  	_ =	shalt  }
0x5d: {  	_ =	shalt  }
0x5e: {  	_ =	shalt  }
0x5f: {  	_ =	shalt  }
0x60: {  	_ =	shalt  }
0x61: {  	_ =	shalt  }
0x62: {  	_ =	shalt  }
0x63: {  	_ =	shalt  }
0x64: {  	_ =	shalt  }
0x65: {  	_ =	shalt  }
0x66: {  	_ =	shalt  }
0x67: {  	_ =	shalt  }
0x68: {  	_ =	shalt  }
0x69: {  	_ =	shalt  }
0x6a: {  	_ =	shalt  }
0x6b: {  	_ =	shalt  }
0x6c: {  	_ =	shalt  }
0x6d: {  	_ =	shalt  }
0x6e: {  	_ =	shalt  }
0x6f: {  	_ =	shalt  }
0x70: {  	_ =	shalt  }
0x71: {  	_ =	shalt  }
0x72: {  	_ =	shalt  }
0x73: {  	_ =	shalt  }
0x74: {  	_ =	shalt  }
0x75: {  	_ =	shalt  }
0x76: {  	_ =	shalt  }
0x77: {  	_ =	shalt  }
0x78: {  	_ =	shalt  }
0x79: {  	_ =	shalt  }
0x7a: {  	_ =	shalt  }
0x7b: {  	_ =	shalt  }
0x7c: {  	_ =	shalt  }
0x7d: {  	_ =	shalt  }
0x7e: {  	_ =	shalt  }
0x7f: {  	_ =	shalt  }
0x80: {  	_ =	shalt  }
0x81: {  	_ =	shalt  }
0x82: {  	_ =	shalt  }
0x83: {  	_ =	shalt  }
0x84: {  	_ =	shalt  }
0x85: {  	_ =	shalt  }
0x86: {  	_ =	shalt  }
0x87: {  	_ =	shalt  }
.Lfunc_end0:
.L_simem_size_0:
called_computation.1_lowered:
.L_overlay_start_0:
0x88: {  	s2 =	sld [smem:$0x3FD9]  }
0x89: {  	s3 =	sld [smem:$0x3FFE];
	_ =	sdelay $0x1  }
0x8a: {  	s1 =	srdreg.scid  }
0x8b: {  	s0 =	sand.u32 $0x1, s1  }
0x8c: {  	s14 =	sshll.u32 s0, $0xA;
	s2 =	sadd.s32 s3, s2  }
0x8d: {  	s2 =	sadd.s32 s2, s14  }
0x8e: {  	[smem:$0x3FC4] =	sst s2  }
0x8f: {  	_ = 	snop  }
0x90: {  	s2 =	sld [smem:$0x3FD0];
	_ =	sdelay $0x2  }
0x91: {  	s15 =	simm.s32 $0xA;
	s4 =	simm.s32 $0x10  }
0x92: {  	[smem:s4], [sflag:s15] =	dma.local [hbm:s2], $0x1  }
0x93: {  	_ =	swait.eq [sflag:s15], $0x1  }
0x94: {  	[sflag:s15] =	ssyncset.done $0x0  }
0x95: {  	[sflag:s15] =	ssyncadd.s32 $0xFFFFFFFF  }
0x96: {  	s16 =	sld [smem:$0x10];
	(tm) =	ssettm $0x1  }
0x97: {  	s17 =	sld [smem:$0x3FFB];
	_ =	sdelay $0x3  }
0x98: {  	_ =	strace s17  }
0x99: {  	s3 =	sld [smem:$0x3FFC];
	_ =	sdelay $0x3  }
0x9a: {  	_ =	strace s3  }
0x9b: {  	s3 =	sld [smem:$0x3FFD];
	_ =	sdelay $0x3  }
0x9c: {  	_ =	strace s3  }
0x9d: {  	_ =	strace $0x8FFFFFFF  }
0x9e: {  	s18 =	sld [smem:$0x3FDB];
	_ =	sdelay $0x1  }
0x9f: {  	s19 =	simm.s32 $_scs_section_size  }
0xa0: {  	s5 =	simm.s32 $_size__tile_overlayer_lowered;
	s6 =	simm.s32 $_tile_overlayer_lowered  }
0xa1: {  	s22 =	simm.s32 $0x1BFF;
	s21 =	sshll.u32 s6, $0x1;
	s3 =	sadd.s32 s19, s18  }
0xa2: {  	s7 =	simm.s32 $0x0;
	s20 =	sshll.u32 s5, $0x1;
	s5 =	sadd.s32 s21, s3  }
0xa3: {  	[timem:s7], [sflag:s22] =	dma.local [hbm:s5], s20  }
0xa4: {  	_ =	swait.ge [sflag:s22], s20  }
0xa5: {  	s4 =	ssub.s32 $0x0, s20;
	[sflag:s22] =	ssyncset.done $0x0  }
0xa6: {  	[sflag:s22] =	ssyncadd.s32 s4;
	_ =	sdelay $0x1  }
0xa7: {  	s23 =	simm.s32 $0x1B8B  }
0xa8: {  	_ =	swait.ge [sflag:s23], $0x1  }
0xa9: {  	[sflag:s23] =	ssyncset.done $0x0  }
0xaa: {  	s25 =	simm.s32 $0x1B8E;
	s24 =	sld [smem:$0x3FFE];
	[sflag:s23] =	ssyncadd.s32 $0xFFFFFFFF  }
0xab: {  	s26 =	simm.s32 $execute0_lowered;
	[smem:$0x3FD2] =	sst s25  }
0xac: {  	s5 =	sshll.u32 s26, $0x1;
	_ =	strace $0x80000046;
	[dreg:$0x1] =	wrdreg $0xFFFFFFFF  }
0xad: {  	s28 =	simm.s32 $_size_execute0_lowered;
	s3 =	sadd.s32 s3, s5;
	[dreg:$0x0] =	wrdreg $0x0  }
0xae: {  	s5 =	sshll.u32 s28, $0x1;
	[dreg:$0x2] =	wrdreg s3  }
0xaf: {  	[dreg:$0x3] =	wrdreg s5  }
0xb0: {  	[dreg:$0x4] =	wrdreg $0xC0  }
0xb1: {  	_ =	task [dreg:s7], $0x5FFFF  }
0xb2: {  	[dreg:$0x1] =	wrdreg $0xFFFFFFFF  }
0xb3: {  	[dreg:$0x0] =	wrdreg $0x60  }
0xb4: {  	[dreg:$0x2] =	wrdreg s24  }
0xb5: {  	[dreg:$0x3] =	wrdreg s16  }
0xb6: {  	[dreg:$0x4] =	wrdreg $0x9  }
0xb7: {  	_ =	task.clear_ibuf [dreg:s7], $0x5FFFF;
	_ =	strace $0x90000046  }
0xb8: {  	s29 =	simm.s32 $0x9;
	_ =	strace $0x80000048  }
0xb9: {  	_ =	swait.ge [sflag:s29], $0x1  }
0xba: {  	[sflag:s29] =	ssyncadd.s32 $0xFFFFFFFF  }
0xbb: {  	_ =	strace $0x90000048  }
0xbc: {  	_ =	sfence  }
0xbd: {  	s30 =	sld [smem:$0x0];
	_ =	sdelay $0x2  }
0xbe: {  	s31 =	sshll.u32 s1, $0xD;
	s1 =	sshrl.u32 s1, $0x2  }
0xbf: {  	s3 =	sand.u32 $0x4000, s31;
	s1 =	sadd.s32 s1, s30  }
0xc0: {  	s0 =	sor.u32 s3, s0;
	s1 =	sshll.u32 s1, $0x11  }
0xc1: {  	s0 =	sor.u32 s1, s0  }
0xc2: {  	s0 =	sadd.s32 $0x8F2B, s0  }
0xc3: {  	[sflag:s0] =	ssyncadd.remote.s32 $0x1  }
0xc4: {  	_ =	sfence.sel $0xFFFF  }
0xc5: {  	[dreg:$0x0] =	wrdreg $0xFFFFFFFF;
	(pc) =	sbr.abs _section_cstart, $3  }
0xc6: {  	[dreg:$0x1] =	wrdreg $0xFFFFFFFF  }
0xc7: {  	_ =	task.clear_ibuf [dreg:s7], $0x2FFFF;
	_ =	strace $0x9FFFFFFF  }
0xc8: {  	(tm) =	ssettm $0x7FFFFFFF  }
0xc9: {  	_ =	shalt  }
tec
execute0_lowered:
.L_overlay_start_1:
0x0: {  	(tag) =	ssettag $0x1  }
0x1: {  	s4 =	rddreg [dreg:$0x0]  }
0x2: {  	s7 =	rddreg [dreg:$0x1];
	s2 =	simm.s32 $0x0  }
0x3: {  	s10 =	simm.s32 $0x8000;
	[smem:$0x7FF] =	sst s2  }
0x4: {  	s11 =	simm.s32 $0x9000;
	_ =	strace $0x80000047;
	[dreg:$0x8] =	wrdreg s10  }
0x5: {  	s12 =	simm.s32 $0xA000;
	[dreg:$0x9] =	wrdreg s11  }
0x6: {  	s13 =	simm.s32 $0xB000;
	[dreg:$0xa] =	wrdreg s12  }
0x7: {  	s14 =	simm.s32 $0xD000;
	[dreg:$0xb] =	wrdreg s13  }
0x8: {  	s15 =	simm.s32 $0xE000;
	[dreg:$0xc] =	wrdreg s14  }
0x9: {  	s17 =	simm.s32 $0xF000;
	[dreg:$0xd] =	wrdreg s15  }
0xa: {  	s18 =	simm.s32 $0x10000;
	[dreg:$0xe] =	wrdreg s17  }
0xb: {  	s0 =	stileid.u32;
	s19 =	simm.s32 $0x11000;
	[dreg:$0xf] =	wrdreg s18  }
0xc: {  	s1 =	srdreg.scid;
	s21 =	simm.s32 $0x13000;
	[dreg:$0x10] =	wrdreg s19  }
0xd: {  	s23 =	simm.s32 $0x14000;
	s24 =	simm.s32 $0x15000;
	[dreg:$0x11] =	wrdreg s21  }
0xe: {  	s25 =	simm.s32 $0x16000;
	s3 =	smul.u32 $0xB6800, s0;
	[dreg:$0x12] =	wrdreg s23  }
0xf: {  	s26 =	simm.s32 $0x17000;
	s6 =	smul.u32 $0x5B4000, s0;
	[dreg:$0x13] =	wrdreg s24  }
0x10: {  	s5 =	sand.u32 $0x1, s1;
	s16 =	smul.u32 $0x6000, s0;
	[dreg:$0x14] =	wrdreg s25  }
0x11: {  	s28 =	simm.s32 $0x19000;
	s8 =	smul.u32 $0x2DA000, s5;
	[dreg:$0x15] =	wrdreg s26  }
0x12: {  	s29 =	simm.s32 $0x1A000;
	s9 =	smul.u32 $0x5B400, s5;
	[dreg:$0x16] =	wrdreg s28  }
0x13: {  	s20 =	ssub.s32 $0x2, s5;
	s5 =	smul.u32 $0x3000, s5;
	[dreg:$0x17] =	wrdreg s29  }
0x14: {  	s11 =	simm.s32 $0x1D000;
	s10 =	simm.s32 $0x18000;
	s12 =	simm.s32 $0x2  }
0x15: {  	s13 =	simm.s32 $0x3;
	s14 =	simm.s32 $0x4;
	s15 =	simm.s32 $0x5  }
0x16: {  	s17 =	simm.s32 $0x7;
	s18 =	simm.s32 $0x8;
	s19 =	simm.s32 $0x0  }
0x17: {  	s3 =	sadd.s32 s3, s7;
	s22 =	sshrl.u32 s20, $0x1;
	[dreg:$0x1a] =	wrdreg s11  }
0x18: {  	s11 =	simm.s32 $0x1;
	s6 =	sadd.s32 s8, s6;
	s3 =	sadd.s32 s9, s3  }
0x19: {  	s9 =	simm.s32 $0x7000;
	s8 =	sadd.s32 $0x111C0, s6;
	[dreg:$0x3] =	wrdreg s3  }
0x1a: {  	s31 =	sadd.s32 $0xB680, s6;
	s6 =	sadd.s32 $0x5B40, s6;
	[dreg:$0x7] =	wrdreg s9  }
0x1b: {  	s9 =	simm.s32 $0x12000;
	s30 =	sshrl.u32 s8, $0x3;
	s8 =	sshrl.u32 s31, $0x3  }
0x1c: {  	s6 =	sshrl.u32 s6, $0x3;
	s31 =	simm.s32 $0x1C000;
	s3 =	sadd.s32 s30, s7  }
0x1d: {  	s1 =	sadd.s32 s8, s7;
	s8 =	sadd.s32 s6, s7;
	[dreg:$0x19] =	wrdreg s31  }
0x1e: {  	s6 =	sadd.s32 s16, s4;
	s7 =	ssub.s32 s20, s22;
	[dreg:$0x4] =	wrdreg s3  }
0x1f: {  	s30 =	simm.s32 $0x1B000;
	s16 =	simm.s32 $0x6;
	[dreg:$0x5] =	wrdreg s1  }
0x20: {  	[dreg:$0x6] =	wrdreg s8;
	s3 =	sadd.s32 $0x79200, s4;
	s4 =	smax.u32 s7, $0x1  }
0x21: {  	s5 =	sadd.s32 s5, s6;
	s6 =	simm.s32 $0x80;
	s7 =	simm.s32 $0x6000  }
0x22: {  	[dreg:$0x18] =	wrdreg s30;
	s8 =	simm.s32 $0xC000;
	s5 =	sadd.s32 $0x19200, s5  }
.LBB2_1:
0x23: {  	s20 =	sand.u32 $0x1C, s2  }
0x24: {  	p1 =	sne.s32 s20, $0x0  }
0x25: {  	s21 =	simm.s32 @!p1 $0x0;
	s22 =	simm.s32 @!p1 $0x9  }
0x26: {  	[tilespmem:s21], [sflag:$0x9] =	stream.linear.gather @!p1 [hbm4b:s5+s21], $0x6000, $0x38;
	[tilespmem:$0x1E000] =	vst v63  }
0x27: {  	_ =	swait.ge @!p1 [sflag:s22], $0x6000  }
0x28: {  	p0 =	por $0x1, $0x1;
	[sflag:s22] =	ssyncset.done @!p1 $0x0  }
0x29: {  	s21 =	simm.s32 @!p0 $0x5;
	[sflag:s22] =	ssyncadd.s32 @!p1 $0xFFFFA000  }
0x2a: {  	s20 =	smul.u32 $0xC00, s20;
	_ =	swait.ge @!p0 [sflag:s21], $0x5B40  }
0x2b: {  	[sflag:s21] =	ssyncset.done @!p0 $0x0  }
0x2c: {  	s20 =	sshrl.u32 s20, $0x2;
	[sflag:s21] =	ssyncadd.s32 @!p0 $0xFFFFA4C0  }
0x2d: {  	[tilespmem:s7], [sflag:$0x1] =	stream.indirect.gather [hbm4b:s3+s6], $0x20, s20, s6, $0xb8;
	[tilespmem:$0x1E000] =	vst v63  }
0x2e: {  	s30 =	sor.u32 $0x80, s20;
	s29 =	rddreg [dreg:$0x7]  }
0x2f: {  	[tilespmem:s29], [sflag:$0x1] =	stream.indirect.gather [hbm4b:s3+s6], $0x20, s30, s6, $0xb8;
	[tilespmem:$0x1E000] =	vst v63  }
0x30: {  	s31 =	sadd.s32 $0x100, s20;
	s23 =	rddreg [dreg:$0x8]  }
0x31: {  	[tilespmem:s23], [sflag:$0x1] =	stream.indirect.gather [hbm4b:s3+s6], $0x20, s31, s6, $0xb8;
	[tilespmem:$0x1E000] =	vst v63  }
0x32: {  	s1 =	rddreg [dreg:$0x9];
	s23 =	sadd.s32 $0x180, s20  }
0x33: {  	[tilespmem:s1], [sflag:$0x1] =	stream.indirect.gather [hbm4b:s3+s6], $0x20, s23, s6, $0xb8;
	[tilespmem:$0x1E000] =	vst v63  }
0x34: {  	s25 =	sadd.s32 $0x200, s20;
	s24 =	rddreg [dreg:$0xa]  }
0x35: {  	[tilespmem:s24], [sflag:$0x1] =	stream.indirect.gather [hbm4b:s3+s6], $0x20, s25, s6, $0xb8;
	[tilespmem:$0x1E000] =	vst v63  }
0x36: {  	s28 =	sadd.s32 $0x280, s20;
	s26 =	rddreg [dreg:$0xb];
	s23 =	simm.s32 @!p0 $0x6  }
0x37: {  	[tilespmem:s26], [sflag:$0x1] =	stream.indirect.gather [hbm4b:s3+s6], $0x20, s28, s6, $0xb8;
	[tilespmem:$0x1E000] =	vst v63  }
0x38: {  	_ =	swait.ge @!p0 [sflag:s23], $0x5B40  }
0x39: {  	[sflag:s23] =	ssyncset.done @!p0 $0x0  }
0x3a: {  	s29 =	sadd.s32 $0x300, s20;
	[sflag:s23] =	ssyncadd.s32 @!p0 $0xFFFFA4C0  }
0x3b: {  	[tilespmem:s8], [sflag:$0x2] =	stream.indirect.gather [hbm4b:s3+s6], $0x20, s29, s6, $0xb8;
	[tilespmem:$0x1E000] =	vst v63  }
0x3c: {  	s31 =	sadd.s32 $0x380, s20;
	s30 =	rddreg [dreg:$0xc]  }
0x3d: {  	[tilespmem:s30], [sflag:$0x2] =	stream.indirect.gather [hbm4b:s3+s6], $0x20, s31, s6, $0xb8;
	[tilespmem:$0x1E000] =	vst v63  }
0x3e: {  	s22 =	sadd.s32 $0x400, s20;
	s1 =	rddreg [dreg:$0xd]  }
0x3f: {  	[tilespmem:s1], [sflag:$0x2] =	stream.indirect.gather [hbm4b:s3+s6], $0x20, s22, s6, $0xb8;
	[tilespmem:$0x1E000] =	vst v63  }
0x40: {  	s25 =	sadd.s32 $0x480, s20;
	s24 =	rddreg [dreg:$0xe]  }
0x41: {  	[tilespmem:s24], [sflag:$0x2] =	stream.indirect.gather [hbm4b:s3+s6], $0x20, s25, s6, $0xb8;
	[tilespmem:$0x1E000] =	vst v63  }
0x42: {  	s28 =	sadd.s32 $0x500, s20;
	s26 =	rddreg [dreg:$0xf]  }
0x43: {  	[tilespmem:s26], [sflag:$0x2] =	stream.indirect.gather [hbm4b:s3+s6], $0x20, s28, s6, $0xb8;
	[tilespmem:$0x1E000] =	vst v63  }
0x44: {  	s23 =	simm.s32 @!p0 $0x7;
	s29 =	rddreg [dreg:$0x10];
	s30 =	sadd.s32 $0x580, s20  }
0x45: {  	[tilespmem:s29], [sflag:$0x2] =	stream.indirect.gather [hbm4b:s3+s6], $0x20, s30, s6, $0xb8;
	[tilespmem:$0x1E000] =	vst v63  }
0x46: {  	_ =	swait.ge @!p0 [sflag:s23], $0x5B40  }
0x47: {  	[sflag:s23] =	ssyncset.done @!p0 $0x0  }
0x48: {  	s31 =	sadd.s32 $0x600, s20;
	[sflag:s23] =	ssyncadd.s32 @!p0 $0xFFFFA4C0  }
0x49: {  	[tilespmem:s9], [sflag:$0x3] =	stream.indirect.gather [hbm4b:s3+s6], $0x20, s31, s6, $0xb8;
	[tilespmem:$0x1E000] =	vst v63  }
0x4a: {  	s1 =	rddreg [dreg:$0x11];
	s23 =	sadd.s32 $0x680, s20  }
0x4b: {  	[tilespmem:s1], [sflag:$0x3] =	stream.indirect.gather [hbm4b:s3+s6], $0x20, s23, s6, $0xb8;
	[tilespmem:$0x1E000] =	vst v63  }
0x4c: {  	s25 =	sadd.s32 $0x700, s20;
	s24 =	rddreg [dreg:$0x12]  }
0x4d: {  	[tilespmem:s24], [sflag:$0x3] =	stream.indirect.gather [hbm4b:s3+s6], $0x20, s25, s6, $0xb8;
	[tilespmem:$0x1E000] =	vst v63  }
0x4e: {  	s28 =	sadd.s32 $0x780, s20;
	s26 =	rddreg [dreg:$0x13]  }
0x4f: {  	[tilespmem:s26], [sflag:$0x3] =	stream.indirect.gather [hbm4b:s3+s6], $0x20, s28, s6, $0xb8;
	[tilespmem:$0x1E000] =	vst v63  }
0x50: {  	s30 =	sadd.s32 $0x800, s20;
	s29 =	rddreg [dreg:$0x14]  }
0x51: {  	[tilespmem:s29], [sflag:$0x3] =	stream.indirect.gather [hbm4b:s3+s6], $0x20, s30, s6, $0xb8;
	[tilespmem:$0x1E000] =	vst v63  }
0x52: {  	s31 =	rddreg [dreg:$0x15];
	s1 =	sadd.s32 $0x880, s20;
	s23 =	simm.s32 @!p0 $0x8  }
0x53: {  	[tilespmem:s31], [sflag:$0x3] =	stream.indirect.gather [hbm4b:s3+s6], $0x20, s1, s6, $0xb8;
	[tilespmem:$0x1E000] =	vst v63  }
0x54: {  	_ =	swait.ge @!p0 [sflag:s23], $0x5B40  }
0x55: {  	[sflag:s23] =	ssyncset.done @!p0 $0x0  }
0x56: {  	s24 =	sadd.s32 $0x900, s20;
	[sflag:s23] =	ssyncadd.s32 @!p0 $0xFFFFA4C0  }
0x57: {  	[tilespmem:s10], [sflag:$0x4] =	stream.indirect.gather [hbm4b:s3+s6], $0x20, s24, s6, $0xb8;
	[tilespmem:$0x1E000] =	vst v63  }
0x58: {  	s26 =	sadd.s32 $0x980, s20;
	s25 =	rddreg [dreg:$0x16]  }
0x59: {  	[tilespmem:s25], [sflag:$0x4] =	stream.indirect.gather [hbm4b:s3+s6], $0x20, s26, s6, $0xb8;
	[tilespmem:$0x1E000] =	vst v63  }
0x5a: {  	s29 =	sadd.s32 $0xA00, s20;
	s28 =	rddreg [dreg:$0x17]  }
0x5b: {  	[tilespmem:s28], [sflag:$0x4] =	stream.indirect.gather [hbm4b:s3+s6], $0x20, s29, s6, $0xb8;
	[tilespmem:$0x1E000] =	vst v63  }
0x5c: {  	s31 =	sadd.s32 $0xA80, s20;
	s30 =	rddreg [dreg:$0x18]  }
0x5d: {  	[tilespmem:s30], [sflag:$0x4] =	stream.indirect.gather [hbm4b:s3+s6], $0x20, s31, s6, $0xb8;
	[tilespmem:$0x1E000] =	vst v63  }
0x5e: {  	s1 =	rddreg [dreg:$0x19];
	s24 =	sadd.s32 $0xB00, s20  }
0x5f: {  	[tilespmem:s1], [sflag:$0x4] =	stream.indirect.gather [hbm4b:s3+s6], $0x20, s24, s6, $0xb8;
	[tilespmem:$0x1E000] =	vst v63  }
0x60: {  	s20 =	sadd.s32 $0xB80, s20;
	s25 =	rddreg [dreg:$0x1a]  }
0x61: {  	[tilespmem:s25], [sflag:$0x4] =	stream.indirect.gather [hbm4b:s3+s6], $0x20, s20, s6, $0xb8;
	[tilespmem:$0x1E000] =	vst v63  }
0x62: {  	_ =	swait.ge [sflag:s11], $0x6000  }
0x63: {  	s26 =	rddreg [dreg:$0x3];
	[sflag:s11] =	ssyncset.done $0x0  }
0x64: {  	[sflag:s11] =	ssyncadd.s32 $0xFFFFA000;
	s20 =	sadd.s32 $0x0, s26  }
0x65: {  	[hbm4b:s20+s2] =	stream.linear.scatter [tilespmem:s7], [sflag:$0x5], $0x5B40, $0x38;
	[tilespmem:$0x1E000] =	vst v63  }
0x66: {  	_ =	swait.ge [sflag:s12], $0x6000  }
0x67: {  	s28 =	rddreg [dreg:$0x6];
	[sflag:s12] =	ssyncset.done $0x0  }
0x68: {  	[sflag:s12] =	ssyncadd.s32 $0xFFFFA000;
	s20 =	sadd.s32 $0x0, s28  }
0x69: {  	[hbm4b:s20+s2] =	stream.linear.scatter [tilespmem:s8], [sflag:$0x6], $0x5B40, $0x38;
	[tilespmem:$0x1E000] =	vst v63  }
0x6a: {  	s23 =	sadd.s32 $0x180, s5;
	_ =	swait.ge [sflag:s13], $0x6000  }
0x6b: {  	s30 =	simm.s32 $0x4;
	s29 =	rddreg [dreg:$0x5];
	[sflag:s13] =	ssyncset.done $0x0  }
0x6c: {  	s22 =	sand.u32 $0x1C, s30;
	[sflag:s13] =	ssyncadd.s32 $0xFFFFA000;
	s20 =	sadd.s32 $0x0, s29  }
0x6d: {  	[hbm4b:s20+s2] =	stream.linear.scatter [tilespmem:s9], [sflag:$0x7], $0x5B40, $0x38;
	[tilespmem:$0x1E000] =	vst v63  }
0x6e: {  	s24 =	simm.s32 $0x5B40;
	s21 =	smul.u32 $0xC00, s22;
	_ =	swait.ge [sflag:s14], $0x6000  }
0x6f: {  	s25 =	simm.s32 $0x8;
	s31 =	rddreg [dreg:$0x4];
	[sflag:s14] =	ssyncset.done $0x0  }
0x70: {  	s20 =	simm.s32 $0x2DA0;
	[sflag:s14] =	ssyncadd.s32 $0xFFFFA000;
	s26 =	sadd.s32 $0x0, s31  }
.LBB2_2:
0x71: {  	[hbm4b:s26+s2] =	stream.linear.scatter [tilespmem:s10], [sflag:$0x8], $0x5B40, $0x38;
	[tilespmem:$0x1E000] =	vst v63  }
0x72: {  	p2 =	sne.s32 s22, $0x0  }
0x73: {  	s28 =	simm.s32 @!p2 $0x0;
	s30 =	simm.s32 @!p2 $0x9  }
0x74: {  	[tilespmem:s28], [sflag:$0x9] =	stream.linear.gather @!p2 [hbm4b:s23+s28], $0x6000, $0x38;
	[tilespmem:$0x1E000] =	vst v63  }
0x75: {  	s26 =	smov.u32 s20;
	_ =	swait.ge @!p2 [sflag:s30], $0x6000  }
0x76: {  	p1 =	seq.s32 s26, $0x0;
	[sflag:s30] =	ssyncset.done @!p2 $0x0  }
0x77: {  	s28 =	simm.s32 @!p1 $0x5;
	[sflag:s30] =	ssyncadd.s32 @!p2 $0xFFFFA000  }
0x78: {  	_ =	swait.ge @!p1 [sflag:s28], $0x5B40  }
0x79: {  	[sflag:s28] =	ssyncset.done @!p1 $0x0  }
0x7a: {  	[sflag:s28] =	ssyncadd.s32 @!p1 $0xFFFFA4C0;
	s28 =	sshrl.u32 s21, $0x2  }
0x7b: {  	[tilespmem:s7], [sflag:$0x1] =	stream.indirect.gather [hbm4b:s3+s6], $0x20, s28, s6, $0xb8;
	[tilespmem:$0x1E000] =	vst v63  }
0x7c: {  	s30 =	rddreg [dreg:$0x7];
	s31 =	sor.u32 $0x80, s28  }
0x7d: {  	[tilespmem:s30], [sflag:$0x1] =	stream.indirect.gather [hbm4b:s3+s6], $0x20, s31, s6, $0xb8;
	[tilespmem:$0x1E000] =	vst v63  }
0x7e: {  	s22 =	sand.u32 $0x1C, s25;
	s1 =	rddreg [dreg:$0x8];
	s31 =	sadd.s32 $0x100, s28  }
0x7f: {  	[tilespmem:s1], [sflag:$0x1] =	stream.indirect.gather [hbm4b:s3+s6], $0x20, s31, s6, $0xb8;
	[tilespmem:$0x1E000] =	vst v63  }
0x80: {  	s29 =	smul.u32 $0xC00, s22;
	s30 =	rddreg [dreg:$0x9];
	s31 =	sadd.s32 $0x180, s28  }
0x81: {  	[tilespmem:s30], [sflag:$0x1] =	stream.indirect.gather [hbm4b:s3+s6], $0x20, s31, s6, $0xb8;
	[tilespmem:$0x1E000] =	vst v63  }
0x82: {  	s21 =	smov.u32 s29;
	s29 =	rddreg [dreg:$0xa];
	s31 =	sadd.s32 $0x200, s28  }
0x83: {  	[tilespmem:s29], [sflag:$0x1] =	stream.indirect.gather [hbm4b:s3+s6], $0x20, s31, s6, $0xb8;
	[tilespmem:$0x1E000] =	vst v63  }
0x84: {  	s30 =	rddreg [dreg:$0xb];
	s31 =	sadd.s32 $0x280, s28;
	s29 =	simm.s32 @!p1 $0x6  }
0x85: {  	[tilespmem:s30], [sflag:$0x1] =	stream.indirect.gather [hbm4b:s3+s6], $0x20, s31, s6, $0xb8;
	[tilespmem:$0x1E000] =	vst v63  }
0x86: {  	_ =	swait.ge @!p1 [sflag:s29], $0x5B40  }
0x87: {  	[sflag:s29] =	ssyncset.done @!p1 $0x0  }
0x88: {  	s30 =	sadd.s32 $0x300, s28;
	[sflag:s29] =	ssyncadd.s32 @!p1 $0xFFFFA4C0  }
0x89: {  	[tilespmem:s8], [sflag:$0x2] =	stream.indirect.gather [hbm4b:s3+s6], $0x20, s30, s6, $0xb8;
	[tilespmem:$0x1E000] =	vst v63  }
0x8a: {  	s31 =	sadd.s32 $0x380, s28;
	s29 =	rddreg [dreg:$0xc]  }
0x8b: {  	[tilespmem:s29], [sflag:$0x2] =	stream.indirect.gather [hbm4b:s3+s6], $0x20, s31, s6, $0xb8;
	[tilespmem:$0x1E000] =	vst v63  }
0x8c: {  	s30 =	rddreg [dreg:$0xd];
	s31 =	sadd.s32 $0x400, s28  }
0x8d: {  	[tilespmem:s30], [sflag:$0x2] =	stream.indirect.gather [hbm4b:s3+s6], $0x20, s31, s6, $0xb8;
	[tilespmem:$0x1E000] =	vst v63  }
0x8e: {  	s29 =	rddreg [dreg:$0xe];
	s31 =	sadd.s32 $0x480, s28  }
0x8f: {  	[tilespmem:s29], [sflag:$0x2] =	stream.indirect.gather [hbm4b:s3+s6], $0x20, s31, s6, $0xb8;
	[tilespmem:$0x1E000] =	vst v63  }
0x90: {  	s30 =	rddreg [dreg:$0xf];
	s31 =	sadd.s32 $0x500, s28  }
0x91: {  	[tilespmem:s30], [sflag:$0x2] =	stream.indirect.gather [hbm4b:s3+s6], $0x20, s31, s6, $0xb8;
	[tilespmem:$0x1E000] =	vst v63  }
0x92: {  	s29 =	rddreg [dreg:$0x10];
	s31 =	sadd.s32 $0x580, s28;
	s30 =	simm.s32 @!p1 $0x7  }
0x93: {  	[tilespmem:s29], [sflag:$0x2] =	stream.indirect.gather [hbm4b:s3+s6], $0x20, s31, s6, $0xb8;
	[tilespmem:$0x1E000] =	vst v63  }
0x94: {  	_ =	swait.ge @!p1 [sflag:s30], $0x5B40  }
0x95: {  	[sflag:s30] =	ssyncset.done @!p1 $0x0  }
0x96: {  	[sflag:s30] =	ssyncadd.s32 @!p1 $0xFFFFA4C0;
	s30 =	sadd.s32 $0x600, s28  }
0x97: {  	[tilespmem:s9], [sflag:$0x3] =	stream.indirect.gather [hbm4b:s3+s6], $0x20, s30, s6, $0xb8;
	[tilespmem:$0x1E000] =	vst v63  }
0x98: {  	s31 =	sadd.s32 $0x680, s28;
	s29 =	rddreg [dreg:$0x11]  }
0x99: {  	[tilespmem:s29], [sflag:$0x3] =	stream.indirect.gather [hbm4b:s3+s6], $0x20, s31, s6, $0xb8;
	[tilespmem:$0x1E000] =	vst v63  }
0x9a: {  	s30 =	rddreg [dreg:$0x12];
	s31 =	sadd.s32 $0x700, s28  }
0x9b: {  	[tilespmem:s30], [sflag:$0x3] =	stream.indirect.gather [hbm4b:s3+s6], $0x20, s31, s6, $0xb8;
	[tilespmem:$0x1E000] =	vst v63  }
0x9c: {  	s29 =	rddreg [dreg:$0x13];
	s31 =	sadd.s32 $0x780, s28  }
0x9d: {  	[tilespmem:s29], [sflag:$0x3] =	stream.indirect.gather [hbm4b:s3+s6], $0x20, s31, s6, $0xb8;
	[tilespmem:$0x1E000] =	vst v63  }
0x9e: {  	s30 =	rddreg [dreg:$0x14];
	s31 =	sadd.s32 $0x800, s28  }
0x9f: {  	[tilespmem:s30], [sflag:$0x3] =	stream.indirect.gather [hbm4b:s3+s6], $0x20, s31, s6, $0xb8;
	[tilespmem:$0x1E000] =	vst v63  }
0xa0: {  	s29 =	rddreg [dreg:$0x15];
	s31 =	sadd.s32 $0x880, s28;
	s30 =	simm.s32 @!p1 $0x8  }
0xa1: {  	[tilespmem:s29], [sflag:$0x3] =	stream.indirect.gather [hbm4b:s3+s6], $0x20, s31, s6, $0xb8;
	[tilespmem:$0x1E000] =	vst v63  }
0xa2: {  	_ =	swait.ge @!p1 [sflag:s30], $0x5B40  }
0xa3: {  	[sflag:s30] =	ssyncset.done @!p1 $0x0  }
0xa4: {  	[sflag:s30] =	ssyncadd.s32 @!p1 $0xFFFFA4C0;
	s30 =	sadd.s32 $0x900, s28  }
0xa5: {  	[tilespmem:s10], [sflag:$0x4] =	stream.indirect.gather [hbm4b:s3+s6], $0x20, s30, s6, $0xb8;
	[tilespmem:$0x1E000] =	vst v63  }
0xa6: {  	s31 =	sadd.s32 $0x980, s28;
	s29 =	rddreg [dreg:$0x16]  }
0xa7: {  	[tilespmem:s29], [sflag:$0x4] =	stream.indirect.gather [hbm4b:s3+s6], $0x20, s31, s6, $0xb8;
	[tilespmem:$0x1E000] =	vst v63  }
0xa8: {  	s30 =	rddreg [dreg:$0x17];
	s31 =	sadd.s32 $0xA00, s28  }
0xa9: {  	[tilespmem:s30], [sflag:$0x4] =	stream.indirect.gather [hbm4b:s3+s6], $0x20, s31, s6, $0xb8;
	[tilespmem:$0x1E000] =	vst v63  }
0xaa: {  	s29 =	rddreg [dreg:$0x18];
	s31 =	sadd.s32 $0xA80, s28  }
0xab: {  	[tilespmem:s29], [sflag:$0x4] =	stream.indirect.gather [hbm4b:s3+s6], $0x20, s31, s6, $0xb8;
	[tilespmem:$0x1E000] =	vst v63  }
0xac: {  	s30 =	rddreg [dreg:$0x19];
	s31 =	sadd.s32 $0xB00, s28  }
0xad: {  	[tilespmem:s30], [sflag:$0x4] =	stream.indirect.gather [hbm4b:s3+s6], $0x20, s31, s6, $0xb8;
	[tilespmem:$0x1E000] =	vst v63  }
0xae: {  	s29 =	rddreg [dreg:$0x1a];
	s31 =	sadd.s32 $0xB80, s28  }
0xaf: {  	[tilespmem:s29], [sflag:$0x4] =	stream.indirect.gather [hbm4b:s3+s6], $0x20, s31, s6, $0xb8;
	[tilespmem:$0x1E000] =	vst v63  }
0xb0: {  	_ =	swait.ge [sflag:s11], $0x6000  }
0xb1: {  	s28 =	rddreg [dreg:$0x3];
	[sflag:s11] =	ssyncset.done $0x0  }
0xb2: {  	[sflag:s11] =	ssyncadd.s32 $0xFFFFA000;
	s1 =	sadd.s32 s26, s28  }
0xb3: {  	[hbm4b:s1+s2] =	stream.linear.scatter [tilespmem:s7], [sflag:$0x5], $0x5B40, $0x38;
	[tilespmem:$0x1E000] =	vst v63  }
0xb4: {  	_ =	swait.ge [sflag:s12], $0x6000  }
0xb5: {  	s29 =	rddreg [dreg:$0x6];
	[sflag:s12] =	ssyncset.done $0x0  }
0xb6: {  	[sflag:s12] =	ssyncadd.s32 $0xFFFFA000;
	s1 =	sadd.s32 s26, s29  }
0xb7: {  	[hbm4b:s1+s2] =	stream.linear.scatter [tilespmem:s8], [sflag:$0x6], $0x5B40, $0x38;
	[tilespmem:$0x1E000] =	vst v63  }
0xb8: {  	s20 =	smov.u32 s24;
	s24 =	sadd.s32 $0x2DA0, s24;
	_ =	swait.ge [sflag:s13], $0x6000  }
0xb9: {  	p0 =	sne.s32 s24, $0x5B400;
	s30 =	rddreg [dreg:$0x5];
	[sflag:s13] =	ssyncset.done $0x0  }
.Ltmp0:
0xba: {  	[sflag:s13] =	ssyncadd.s32 $0xFFFFA000;
	s1 =	sadd.s32 s26, s30;
	(pc) =	sbr.rel @p0 .LBB2_2-.Ltmp0, $4  }
0xbb: {  	[hbm4b:s1+s2] =	stream.linear.scatter [tilespmem:s9], [sflag:$0x7], $0x5B40, $0x38;
	[tilespmem:$0x1E000] =	vst v63  }
0xbc: {  	_ =	swait.ge [sflag:s14], $0x6000  }
0xbd: {  	s25 =	sadd.s32 $0x4, s25;
	[sflag:s14] =	ssyncset.done $0x0;
	s31 =	rddreg [dreg:$0x4]  }
0xbe: {  	s23 =	sadd.s32 $0x180, s23;
	[sflag:s14] =	ssyncadd.s32 $0xFFFFA000;
	s26 =	sadd.s32 s26, s31  }
0xbf: {  	[hbm4b:s26+s2] =	stream.linear.scatter [tilespmem:s10], [sflag:$0x8], $0x5B40, $0x38;
	[tilespmem:$0x1E000] =	vst v63  }
0xc0: {  	p1 =	sne.s32 s22, $0x0  }
0xc1: {  	s1 =	simm.s32 @!p1 $0x0;
	s22 =	simm.s32 @!p1 $0x9  }
0xc2: {  	[tilespmem:s1], [sflag:$0x9] =	stream.linear.gather @!p1 [hbm4b:s23+s1], $0x6000, $0x38;
	[tilespmem:$0x1E000] =	vst v63  }
0xc3: {  	_ =	swait.ge @!p1 [sflag:s22], $0x6000  }
0xc4: {  	p0 =	seq.s32 s20, $0x0;
	[sflag:s22] =	ssyncset.done @!p1 $0x0  }
0xc5: {  	s1 =	simm.s32 @!p0 $0x5;
	[sflag:s22] =	ssyncadd.s32 @!p1 $0xFFFFA000  }
0xc6: {  	_ =	swait.ge @!p0 [sflag:s1], $0x5B40  }
0xc7: {  	[sflag:s1] =	ssyncset.done @!p0 $0x0  }
0xc8: {  	s21 =	sshrl.u32 s21, $0x2;
	[sflag:s1] =	ssyncadd.s32 @!p0 $0xFFFFA4C0  }
0xc9: {  	[tilespmem:s7], [sflag:$0x1] =	stream.indirect.gather [hbm4b:s3+s6], $0x20, s21, s6, $0xb8;
	[tilespmem:$0x1E000] =	vst v63  }
0xca: {  	s30 =	sor.u32 $0x80, s21;
	s29 =	rddreg [dreg:$0x7]  }
0xcb: {  	[tilespmem:s29], [sflag:$0x1] =	stream.indirect.gather [hbm4b:s3+s6], $0x20, s30, s6, $0xb8;
	[tilespmem:$0x1E000] =	vst v63  }
0xcc: {  	s24 =	sadd.s32 $0x100, s21;
	s31 =	rddreg [dreg:$0x8]  }
0xcd: {  	[tilespmem:s31], [sflag:$0x1] =	stream.indirect.gather [hbm4b:s3+s6], $0x20, s24, s6, $0xb8;
	[tilespmem:$0x1E000] =	vst v63  }
0xce: {  	s26 =	sadd.s32 $0x180, s21;
	s25 =	rddreg [dreg:$0x9]  }
0xcf: {  	[tilespmem:s25], [sflag:$0x1] =	stream.indirect.gather [hbm4b:s3+s6], $0x20, s26, s6, $0xb8;
	[tilespmem:$0x1E000] =	vst v63  }
0xd0: {  	s28 =	rddreg [dreg:$0xa];
	s29 =	sadd.s32 $0x200, s21  }
0xd1: {  	[tilespmem:s28], [sflag:$0x1] =	stream.indirect.gather [hbm4b:s3+s6], $0x20, s29, s6, $0xb8;
	[tilespmem:$0x1E000] =	vst v63  }
0xd2: {  	s23 =	simm.s32 @!p0 $0x6;
	s30 =	rddreg [dreg:$0xb];
	s31 =	sadd.s32 $0x280, s21  }
0xd3: {  	[tilespmem:s30], [sflag:$0x1] =	stream.indirect.gather [hbm4b:s3+s6], $0x20, s31, s6, $0xb8;
	[tilespmem:$0x1E000] =	vst v63  }
0xd4: {  	_ =	swait.ge @!p0 [sflag:s23], $0x5B40  }
0xd5: {  	[sflag:s23] =	ssyncset.done @!p0 $0x0  }
0xd6: {  	[sflag:s23] =	ssyncadd.s32 @!p0 $0xFFFFA4C0;
	s23 =	sadd.s32 $0x300, s21  }
0xd7: {  	[tilespmem:s8], [sflag:$0x2] =	stream.indirect.gather [hbm4b:s3+s6], $0x20, s23, s6, $0xb8;
	[tilespmem:$0x1E000] =	vst v63  }
0xd8: {  	s25 =	sadd.s32 $0x380, s21;
	s24 =	rddreg [dreg:$0xc]  }
0xd9: {  	[tilespmem:s24], [sflag:$0x2] =	stream.indirect.gather [hbm4b:s3+s6], $0x20, s25, s6, $0xb8;
	[tilespmem:$0x1E000] =	vst v63  }
0xda: {  	s28 =	sadd.s32 $0x400, s21;
	s26 =	rddreg [dreg:$0xd]  }
0xdb: {  	[tilespmem:s26], [sflag:$0x2] =	stream.indirect.gather [hbm4b:s3+s6], $0x20, s28, s6, $0xb8;
	[tilespmem:$0x1E000] =	vst v63  }
0xdc: {  	s30 =	sadd.s32 $0x480, s21;
	s29 =	rddreg [dreg:$0xe]  }
0xdd: {  	[tilespmem:s29], [sflag:$0x2] =	stream.indirect.gather [hbm4b:s3+s6], $0x20, s30, s6, $0xb8;
	[tilespmem:$0x1E000] =	vst v63  }
0xde: {  	s31 =	rddreg [dreg:$0xf];
	s24 =	sadd.s32 $0x500, s21  }
0xdf: {  	[tilespmem:s31], [sflag:$0x2] =	stream.indirect.gather [hbm4b:s3+s6], $0x20, s24, s6, $0xb8;
	[tilespmem:$0x1E000] =	vst v63  }
0xe0: {  	s23 =	simm.s32 @!p0 $0x7;
	s25 =	rddreg [dreg:$0x10];
	s26 =	sadd.s32 $0x580, s21  }
0xe1: {  	[tilespmem:s25], [sflag:$0x2] =	stream.indirect.gather [hbm4b:s3+s6], $0x20, s26, s6, $0xb8;
	[tilespmem:$0x1E000] =	vst v63  }
0xe2: {  	_ =	swait.ge @!p0 [sflag:s23], $0x5B40  }
0xe3: {  	[sflag:s23] =	ssyncset.done @!p0 $0x0  }
0xe4: {  	s28 =	sadd.s32 $0x600, s21;
	[sflag:s23] =	ssyncadd.s32 @!p0 $0xFFFFA4C0  }
0xe5: {  	[tilespmem:s9], [sflag:$0x3] =	stream.indirect.gather [hbm4b:s3+s6], $0x20, s28, s6, $0xb8;
	[tilespmem:$0x1E000] =	vst v63  }
0xe6: {  	s30 =	sadd.s32 $0x680, s21;
	s29 =	rddreg [dreg:$0x11]  }
0xe7: {  	[tilespmem:s29], [sflag:$0x3] =	stream.indirect.gather [hbm4b:s3+s6], $0x20, s30, s6, $0xb8;
	[tilespmem:$0x1E000] =	vst v63  }
0xe8: {  	s24 =	sadd.s32 $0x700, s21;
	s31 =	rddreg [dreg:$0x12]  }
0xe9: {  	[tilespmem:s31], [sflag:$0x3] =	stream.indirect.gather [hbm4b:s3+s6], $0x20, s24, s6, $0xb8;
	[tilespmem:$0x1E000] =	vst v63  }
0xea: {  	s26 =	sadd.s32 $0x780, s21;
	s25 =	rddreg [dreg:$0x13]  }
0xeb: {  	[tilespmem:s25], [sflag:$0x3] =	stream.indirect.gather [hbm4b:s3+s6], $0x20, s26, s6, $0xb8;
	[tilespmem:$0x1E000] =	vst v63  }
0xec: {  	s28 =	rddreg [dreg:$0x14];
	s29 =	sadd.s32 $0x800, s21  }
0xed: {  	[tilespmem:s28], [sflag:$0x3] =	stream.indirect.gather [hbm4b:s3+s6], $0x20, s29, s6, $0xb8;
	[tilespmem:$0x1E000] =	vst v63  }
0xee: {  	s23 =	simm.s32 @!p0 $0x8;
	s30 =	rddreg [dreg:$0x15];
	s31 =	sadd.s32 $0x880, s21  }
0xef: {  	[tilespmem:s30], [sflag:$0x3] =	stream.indirect.gather [hbm4b:s3+s6], $0x20, s31, s6, $0xb8;
	[tilespmem:$0x1E000] =	vst v63  }
0xf0: {  	_ =	swait.ge @!p0 [sflag:s23], $0x5B40  }
0xf1: {  	[sflag:s23] =	ssyncset.done @!p0 $0x0  }
0xf2: {  	[sflag:s23] =	ssyncadd.s32 @!p0 $0xFFFFA4C0;
	s23 =	sadd.s32 $0x900, s21  }
0xf3: {  	[tilespmem:s10], [sflag:$0x4] =	stream.indirect.gather [hbm4b:s3+s6], $0x20, s23, s6, $0xb8;
	[tilespmem:$0x1E000] =	vst v63  }
0xf4: {  	s25 =	sadd.s32 $0x980, s21;
	s24 =	rddreg [dreg:$0x16]  }
0xf5: {  	[tilespmem:s24], [sflag:$0x4] =	stream.indirect.gather [hbm4b:s3+s6], $0x20, s25, s6, $0xb8;
	[tilespmem:$0x1E000] =	vst v63  }
0xf6: {  	s28 =	sadd.s32 $0xA00, s21;
	s26 =	rddreg [dreg:$0x17]  }
0xf7: {  	[tilespmem:s26], [sflag:$0x4] =	stream.indirect.gather [hbm4b:s3+s6], $0x20, s28, s6, $0xb8;
	[tilespmem:$0x1E000] =	vst v63  }
0xf8: {  	s30 =	sadd.s32 $0xA80, s21;
	s29 =	rddreg [dreg:$0x18]  }
0xf9: {  	[tilespmem:s29], [sflag:$0x4] =	stream.indirect.gather [hbm4b:s3+s6], $0x20, s30, s6, $0xb8;
	[tilespmem:$0x1E000] =	vst v63  }
0xfa: {  	s31 =	rddreg [dreg:$0x19];
	s24 =	sadd.s32 $0xB00, s21  }
0xfb: {  	[tilespmem:s31], [sflag:$0x4] =	stream.indirect.gather [hbm4b:s3+s6], $0x20, s24, s6, $0xb8;
	[tilespmem:$0x1E000] =	vst v63  }
0xfc: {  	s25 =	rddreg [dreg:$0x1a];
	s26 =	sadd.s32 $0xB80, s21  }
0xfd: {  	[tilespmem:s25], [sflag:$0x4] =	stream.indirect.gather [hbm4b:s3+s6], $0x20, s26, s6, $0xb8;
	[tilespmem:$0x1E000] =	vst v63  }
0xfe: {  	_ =	swait.ge [sflag:s11], $0x6000  }
0xff: {  	s28 =	rddreg [dreg:$0x3];
	[sflag:s11] =	ssyncset.done $0x0  }
0x100: {  	[sflag:s11] =	ssyncadd.s32 $0xFFFFA000;
	s1 =	sadd.s32 s20, s28  }
0x101: {  	[hbm4b:s1+s2] =	stream.linear.scatter [tilespmem:s7], [sflag:$0x5], $0x5B40, $0x38;
	[tilespmem:$0x1E000] =	vst v63  }
0x102: {  	_ =	swait.ge [sflag:s12], $0x6000  }
0x103: {  	s29 =	rddreg [dreg:$0x6];
	[sflag:s12] =	ssyncset.done $0x0  }
0x104: {  	[sflag:s12] =	ssyncadd.s32 $0xFFFFA000;
	s1 =	sadd.s32 s20, s29  }
0x105: {  	[hbm4b:s1+s2] =	stream.linear.scatter [tilespmem:s8], [sflag:$0x6], $0x5B40, $0x38;
	[tilespmem:$0x1E000] =	vst v63  }
0x106: {  	_ =	swait.ge [sflag:s13], $0x6000  }
0x107: {  	s30 =	rddreg [dreg:$0x5];
	[sflag:s13] =	ssyncset.done $0x0  }
0x108: {  	[sflag:s13] =	ssyncadd.s32 $0xFFFFA000;
	s1 =	sadd.s32 s20, s30  }
0x109: {  	[hbm4b:s1+s2] =	stream.linear.scatter [tilespmem:s9], [sflag:$0x7], $0x5B40, $0x38;
	[tilespmem:$0x1E000] =	vst v63  }
0x10a: {  	_ =	swait.ge [sflag:s14], $0x6000  }
0x10b: {  	s31 =	rddreg [dreg:$0x4];
	[sflag:s14] =	ssyncset.done $0x0  }
0x10c: {  	[sflag:s14] =	ssyncadd.s32 $0xFFFFA000;
	s1 =	sadd.s32 s20, s31  }
0x10d: {  	[hbm4b:s1+s2] =	stream.linear.scatter [tilespmem:s10], [sflag:$0x8], $0x5B40, $0x38;
	[tilespmem:$0x1E000] =	vst v63  }
0x10e: {  	_ =	swait.ge [sflag:s15], $0x5B40  }
0x10f: {  	[sflag:s15] =	ssyncset.done $0x0  }
0x110: {  	[sflag:s15] =	ssyncadd.s32 $0xFFFFA4C0  }
0x111: {  	_ =	swait.ge [sflag:s16], $0x5B40  }
0x112: {  	[sflag:s16] =	ssyncset.done $0x0  }
0x113: {  	s19 =	sadd.s32 $0x1, s19;
	[sflag:s16] =	ssyncadd.s32 $0xFFFFA4C0  }
0x114: {  	p0 =	sne.s32 s19, s4;
	_ =	swait.ge [sflag:s17], $0x5B40  }
.Ltmp1:
0x115: {  	[sflag:s17] =	ssyncset.done $0x0;
	(pc) =	sbr.rel @p0 .LBB2_1-.Ltmp1, $4  }
0x116: {  	[sflag:s17] =	ssyncadd.s32 $0xFFFFA4C0  }
0x117: {  	_ =	swait.ge [sflag:s18], $0x5B40  }
0x118: {  	[sflag:s18] =	ssyncset.done $0x0  }
0x119: {  	[sflag:s18] =	ssyncadd.s32 $0xFFFFA4C0  }
0x11a: {  	_ =	sfence.sel $0x180000  }
0x11b: {  	[bflag:$0x0] =	sbarrier.arrive $0xFFFF  }
0x11c: {  	_ =	strace $0x90000047  }
0x11d: {  	[bflag:$0x2] =	sbarrier.arrive $0xFFFF  }
0x11e: {  	p0 =	sne.s32 s0, $0x0;
	s0 =	rddreg [dreg:$0x2]  }
0x11f: {  	s0 =	sadd.s32 @!p0 $0x100000, s0  }
0x120: {  	[sflag:s0] =	ssyncadd.tile.s32 @!p0 $0x1;
	_ =	shalt  }
.Lfunc_end2:
_tile_overlayer_lowered:
.L_overlay_start_2:
0x121: {  	(tag) =	ssettag $0x2  }
0x122: {  	s0 =	rddreg [dreg:$0x0];
	s2 =	stileid.u32  }
0x123: {  	s1 =	rddreg [dreg:$0x1];
	p0 =	sne.s32 s2, $0x0  }
0x124: {  	s3 =	rddreg [dreg:$0x2];
	[bflag:$0x3] =	sbarrier.arrive $0xFFFF;
	s2 =	simm.s32 @!p0 $0x1C09  }
0x125: {  	[timem:s3], [sflag:s2] =	dma.local @!p0 [hbm:s0], s1  }
0x126: {  	s0 =	simm.s32 @!p0 $0x9  }
0x127: {  	_ =	swait.ge @!p0 [sflag:s0], s1  }
0x128: {  	s1 =	ssub.s32 @!p0 $0x0, s1;
	[sflag:s0] =	ssyncset.done @!p0 $0x0  }
0x129: {  	[sflag:s0] =	ssyncadd.s32 @!p0 s1  }
0x12a: {  	[bflag:$0x3] =	sbarrier.arrive $0xFFFF  }
0x12b: {  	_ =	shalt  }

// kernel: sparse-core-data-format-call.cloned.1.call-start
scs
called_computation_lowered:
.L_overlay_start_0:
0x0: {  	s2 =	sld [smem:$0x3FD9]  }
0x1: {  	s3 =	sld [smem:$0x3FFE];
	_ =	sdelay $0x1  }
0x2: {  	s1 =	srdreg.scid  }
0x3: {  	s0 =	sand.u32 $0x1, s1  }
0x4: {  	s15 =	sshll.u32 s0, $0xA;
	s2 =	sadd.s32 s3, s2  }
0x5: {  	s2 =	sadd.s32 s2, s15  }
0x6: {  	[smem:$0x3FC4] =	sst s2  }
0x7: {  	_ = 	snop  }
0x8: {  	s2 =	sld [smem:$0x3FD0];
	_ =	sdelay $0x2  }
0x9: {  	s16 =	simm.s32 $0xA;
	s4 =	simm.s32 $0x10  }
0xa: {  	[smem:s4], [sflag:s16] =	dma.local [hbm:s2], $0x1  }
0xb: {  	_ =	swait.eq [sflag:s16], $0x1  }
0xc: {  	[sflag:s16] =	ssyncset.done $0x0  }
0xd: {  	[sflag:s16] =	ssyncadd.s32 $0xFFFFFFFF  }
0xe: {  	s17 =	sld [smem:$0x10];
	(tm) =	ssettm $0x1  }
0xf: {  	s18 =	sld [smem:$0x3FFB];
	_ =	sdelay $0x3  }
0x10: {  	_ =	strace s18  }
0x11: {  	s3 =	sld [smem:$0x3FFC];
	_ =	sdelay $0x3  }
0x12: {  	_ =	strace s3  }
0x13: {  	s3 =	sld [smem:$0x3FFD];
	_ =	sdelay $0x3  }
0x14: {  	_ =	strace s3  }
0x15: {  	_ =	strace $0x8FFFFFFF  }
0x16: {  	s19 =	sld [smem:$0x3FDB];
	_ =	sdelay $0x1  }
0x17: {  	s20 =	simm.s32 $_scs_section_size  }
0x18: {  	s5 =	simm.s32 $_size__tile_overlayer_lowered;
	s6 =	simm.s32 $_tile_overlayer_lowered  }
0x19: {  	s23 =	simm.s32 $0x1BFF;
	s22 =	sshll.u32 s6, $0x1;
	s3 =	sadd.s32 s20, s19  }
0x1a: {  	s7 =	simm.s32 $0x0;
	s21 =	sshll.u32 s5, $0x1;
	s5 =	sadd.s32 s22, s3  }
0x1b: {  	[timem:s7], [sflag:s23] =	dma.local [hbm:s5], s21  }
0x1c: {  	_ =	swait.ge [sflag:s23], s21  }
0x1d: {  	s4 =	ssub.s32 $0x0, s21;
	[sflag:s23] =	ssyncset.done $0x0  }
0x1e: {  	[sflag:s23] =	ssyncadd.s32 s4;
	_ =	sdelay $0x1  }
0x1f: {  	s24 =	simm.s32 $0x1B8B  }
0x20: {  	_ =	swait.ge [sflag:s24], $0x1  }
0x21: {  	[sflag:s24] =	ssyncset.done $0x0  }
0x22: {  	s26 =	simm.s32 $0x1B8E;
	s25 =	sld [smem:$0x3FFE];
	[sflag:s24] =	ssyncadd.s32 $0xFFFFFFFF  }
0x23: {  	s27 =	simm.s32 $execute0_lowered;
	[smem:$0x3FD2] =	sst s26  }
0x24: {  	s5 =	sshll.u32 s27, $0x1;
	_ =	strace $0x80000049;
	[dreg:$0x1] =	wrdreg $0xFFFFFFFF  }
0x25: {  	s28 =	simm.s32 $_size_execute0_lowered;
	s3 =	sadd.s32 s3, s5;
	[dreg:$0x0] =	wrdreg $0x0  }
0x26: {  	s5 =	sshll.u32 s28, $0x1;
	[dreg:$0x2] =	wrdreg s3  }
0x27: {  	[dreg:$0x3] =	wrdreg s5  }
0x28: {  	[dreg:$0x4] =	wrdreg $0xC0  }
0x29: {  	_ =	task [dreg:s7], $0x5FFFF  }
0x2a: {  	[dreg:$0x1] =	wrdreg $0xFFFFFFFF  }
0x2b: {  	[dreg:$0x0] =	wrdreg $0x60  }
0x2c: {  	[dreg:$0x2] =	wrdreg s25  }
0x2d: {  	[dreg:$0x3] =	wrdreg s17  }
0x2e: {  	[dreg:$0x4] =	wrdreg $0x9  }
0x2f: {  	_ =	task.clear_ibuf [dreg:s7], $0x5FFFF;
	_ =	strace $0x90000049  }
0x30: {  	s29 =	simm.s32 $0x9;
	_ =	strace $0x8000004B  }
0x31: {  	_ =	swait.ge [sflag:s29], $0x1  }
0x32: {  	[sflag:s29] =	ssyncadd.s32 $0xFFFFFFFF  }
0x33: {  	_ =	strace $0x9000004B  }
0x34: {  	_ =	sfence  }
0x35: {  	s30 =	sld [smem:$0x0];
	_ =	sdelay $0x2  }
0x36: {  	s31 =	sshll.u32 s1, $0xD;
	s1 =	sshrl.u32 s1, $0x2  }
0x37: {  	s3 =	sand.u32 $0x4000, s31;
	s1 =	sadd.s32 s1, s30  }
0x38: {  	s0 =	sor.u32 s3, s0;
	s1 =	sshll.u32 s1, $0x11  }
0x39: {  	s0 =	sor.u32 s1, s0  }
0x3a: {  	s0 =	sadd.s32 $0x8F2B, s0  }
0x3b: {  	[sflag:s0] =	ssyncadd.remote.s32 $0x1  }
0x3c: {  	_ =	sfence.sel $0xFFFF  }
0x3d: {  	[dreg:$0x0] =	wrdreg $0xFFFFFFFF;
	(pc) =	sbr.abs _section_cstart, $3  }
0x3e: {  	[dreg:$0x1] =	wrdreg $0xFFFFFFFF  }
0x3f: {  	_ =	task.clear_ibuf [dreg:s7], $0x2FFFF;
	_ =	strace $0x9FFFFFFF  }
0x40: {  	(tm) =	ssettm $0x7FFFFFFF  }
0x41: {  	_ =	shalt  }
tec
execute0_lowered:
.L_overlay_start_1:
0x0: {  	(tag) =	ssettag $0x1  }
0x1: {  	s0 =	srdreg.scid  }
0x2: {  	s1 =	sshll.u32 s0, $0x4  }
0x3: {  	s0 =	stileid.u32;
	s1 =	sand.u32 $0x10, s1  }
0x4: {  	s1 =	sor.u32 s0, s1  }
0x5: {  	s6 =	rddreg [dreg:$0x0];
	s4 =	simm.s32 $0x1;
	s2 =	sshll.u32 s1, $0x7  }
0x6: {  	s7 =	simm.s32 $0x2;
	s12 =	simm.s32 $0x0;
	s1 =	ssub.s32 $0x1000, s2  }
0x7: {  	s8 =	simm.s32 $0x8000;
	s13 =	simm.s32 $0x0;
	s3 =	sand.u32 $0xF80, s1  }
0x8: {  	s9 =	simm.s32 $0x0;
	s5 =	sshrl.u32 s1, $0xC;
	p0 =	sne.s32 s3, $0x0  }
.Ltmp0:
0x9: {  	s1 =	rddreg [dreg:$0x2];
	s4 =	simm.s32 @!p0 $0x0;
	(pc) =	sbr.rel .LBB1_1-.Ltmp0, $4  }
0xa: {  	s11 =	simm.s32 $0x0;
	s3 =	rddreg [dreg:$0x1];
	s5 =	sadd.s32 s4, s5  }
0xb: {  	_ =	strace $0x8000004A;
	s4 =	simm.s32 $0x1;
	s5 =	smul.u32 $0x2DA, s5  }
0xc: {  	s6 =	sadd.s32 $0x19200, s6;
	s10 =	smov.u32 s2;
	[sflag:s4] =	ssyncpa.u1 $0x0  }
0xd: {  	p0 =	por $0x0, $0x0;
	[sflag:s7] =	ssyncpa.u1 $0x0;
	s7 =	sor.u32 $0x1, s5  }
.LBB1_4:
0xe: {  	s16 =	sshll.u32 s13, $0x3;
	s17 =	sand.u32 $0x78, s13  }
0xf: {  	s30 =	sand.u32 $0x3E00, s13;
	s12 =	sshll.u32 s12, $0xE;
	s16 =	sand.u32 $0xC00, s16  }
0x10: {  	s31 =	sand.u32 $0x7, s13;
	s16 =	sor.u32 s17, s16;
	s17 =	sadd.s32 s3, s30  }
0x11: {  	s13 =	sshll.u32 s31, $0x12;
	s16 =	sshrl.u32 s16, $0x3;
	s12 =	sadd.s32 s12, s17  }
0x12: {  	[tilespmem:s15+$0x0 ss:$0x81] =	vst.msk $0xffff, v0;
	s13 =	sor.u32 $0x400, s13;
	s12 =	sadd.s32 s16, s12  }
0x13: {  	[hbm4b:s12+s13] =	stream.strided.scatter [tilespmem:s14], [sflag:$0x2], $0x1000, s8, s13, $0x20;
	[tilespmem:$0x4040] =	vst v63  }
.LBB1_5:
0x14: {  	s14 =	sadd.s32 $0x1, s9  }
0x15: {  	s12 =	sadd.s32 $0x1000, s10;
	s16 =	smov.u32 s10;
	p2 =	sgt.s32 s14, $0x2D9  }
0x16: {  	s16 =	smov.u32 @p2 s12  }
0x17: {  	s14 =	simm.s32 @p2 $0x0;
	p2 =	sgt.s32 s16, $0xFFF  }
0x18: {  	s16 =	smov.u32 @p2 s2;
	p2 =	sne.s32 s11, s7  }
.Ltmp1:
0x19: {  	p1 =	slt.u32 s11, $0x2;
	(pc) =	sbr.rel @!p2 .LBB1_6-.Ltmp1, $4  }
0x1a: {  	s15 =	simm.s32 @!p1 $0x2  }
0x1b: {  	s13 =	smov.u32 s10;
	p0 =	por !p0, !p0;
	_ =	swait.ge @!p1 [sflag:s15], $0x1000  }
0x1c: {  	s12 =	smov.u32 s9;
	[sflag:s15] =	ssyncset.done @!p1 $0x0;
	s9 =	smov.u32 s14  }
0x1d: {  	s11 =	sadd.s32 $0x1, s11;
	[sflag:s15] =	ssyncadd.s32 @!p1 $0xFFFFF000;
	s10 =	smov.u32 s16  }
.LBB1_1:
0x1e: {  	p1 =	sge.u32 s11, s5  }
0x1f: {  	s14 =	sand.u32 @!p1 $0x1FFFFFF, s9  }
0x20: {  	s15 =	smulhi.u32 @!p1 $0xB21643, s14;
	_ =	sdelay $0x1  }
0x21: {  	s15 =	sshrl.u32 @!p1 s15, $0x1  }
0x22: {  	s15 =	smul.u32 @!p1 $0x2E0, s15  }
0x23: {  	s16 =	sxor.u32 @!p1 $0xFFFFFFFF, s11;
	s17 =	smul.u32 @!p1 $0x2E00, s10  }
0x24: {  	s31 =	sadd.s32 $0xFFFFFFFF, s11;
	s16 =	sshll.u32 @!p1 s16, $0xC;
	s14 =	ssub.s32 @!p1 s14, s15  }
0x25: {  	s15 =	sand.u32 @!p1 $0x1000, s16;
	s16 =	sadd.s32 @!p1 s6, s17;
	s14 =	sshll.u32 @!p1 s14, $0x4  }
0x26: {  	s17 =	simm.s32 @!p1 $0x17000;
	s14 =	sadd.s32 @!p1 s14, s16;
	s16 =	simm.s32 @!p1 $0x20  }
0x27: {  	[tilespmem:s15], [sflag:$0x1] =	stream.strided.gather @!p1 [hbm4b:s14+s16], $0x1000, s17, s16, $0x38;
	[tilespmem:$0x4040] =	vst v63  }
0x28: {  	p1 =	sge.u32 s31, s5  }
.Ltmp2:
0x29: {  	_ = 	snop;
	(pc) =	sbr.rel @p1 .LBB1_5-.Ltmp2, $1  }
0x2a: {  	_ =	sdelay $0x3  }
0x2b: {  	s14 =	simm.s32 $0x1  }
0x2c: {  	_ =	swait.ge [sflag:s4], $0x1000;
	s14 =	simm.s32 @!p0 $0x0  }
0x2d: {  	[sflag:s4] =	ssyncset.done $0x0;
	s15 =	sshll.u32 s14, $0xC  }
0x2e: {  	[sflag:s4] =	ssyncadd.s32 $0xFFFFF000;
	s18 =	sor.u32 $0x10, s15  }
0x2f: {  	s14 =	smul.u32 $0x4080, s14;
	v1 =	vld [tilespmem:s18+$0x0]  }
0x30: {  	s30 =	sand.u32 $0x1, s11;
	v0 =	vld [tilespmem:s18+$0xFFFFFFF0]  }
0x31: {  	s15 =	smul.u32 $0x4080, s30;
	s14 =	sshrl.u32 s14, $0x2  }
0x32: {  	s16 =	sor.u32 $0x2000, s14  }
0x33: {  	s31 =	sshrl.u32 s15, $0x2;
	s15 =	sadd.s32 $0x0, s16  }
0x34: {  	s17 =	simm.s32 $0x4;
	s18 =	sadd.s32 $0x20, s18;
	s14 =	sor.u32 $0x2000, s31;
	[tilespmem:s15+$0x810 ss:$0x81] =	vst.msk $0xffff, v1  }
.LBB1_3:
0x35: {  	v1 =	vld [tilespmem:s18+$0x0];
	p1 =	sne.s32 s17, $0x1FC;
	[tilespmem:s15+$0x0 ss:$0x81] =	vst.msk $0xffff, v0;
	s15 =	smov.u32 s17;
	s17 =	sadd.s32 $0x4, s17  }
.Ltmp3:
0x36: {  	v0 =	vld [tilespmem:s18+$0xFFFFFFF0];
	(pc) =	sbr.rel @p1 .LBB1_3-.Ltmp3, $4  }
0x37: {  	_ = 	snop  }
0x38: {  	s15 =	sshra.s32 s15, $0x2  }
0x39: {  	s15 =	sadd.s32 s15, s16  }
0x3a: {  	s18 =	sadd.s32 $0x20, s18;
	[tilespmem:s15+$0x810 ss:$0x81] =	vst.msk $0xffff, v1  }
.Ltmp4:
0x3b: {  	_ = 	snop;
	(pc) =	sbr.rel .LBB1_4-.Ltmp4, $1  }
0x3c: {  	_ =	sdelay $0x3  }
.LBB1_6:
0x3d: {  	_ =	sfence.sel $0x180000  }
0x3e: {  	s2 =	simm.s32 $0x1;
	[bflag:$0x0] =	sbarrier.arrive $0xFFFF  }
0x3f: {  	s31 =	simm.s32 $0x2;
	[sflag:s2] =	ssyncpa.u1 $0x1  }
0x40: {  	[sflag:s31] =	ssyncpa.u1 $0x1  }
0x41: {  	p0 =	sne.s32 s0, $0x0;
	_ =	strace $0x9000004A  }
0x42: {  	s0 =	sadd.s32 @!p0 $0x100000, s1;
	[bflag:$0x2] =	sbarrier.arrive $0xFFFF  }
0x43: {  	[sflag:s0] =	ssyncadd.tile.s32 @!p0 $0x1;
	_ =	shalt  }
.Lfunc_end1:
_tile_overlayer_lowered:
.L_overlay_start_2:
0x44: {  	(tag) =	ssettag $0x2  }
0x45: {  	s0 =	rddreg [dreg:$0x0];
	s2 =	stileid.u32  }
0x46: {  	s1 =	rddreg [dreg:$0x1];
	p0 =	sne.s32 s2, $0x0  }
0x47: {  	s3 =	rddreg [dreg:$0x2];
	[bflag:$0x3] =	sbarrier.arrive $0xFFFF;
	s2 =	simm.s32 @!p0 $0x1C01  }
0x48: {  	[timem:s3], [sflag:s2] =	dma.local @!p0 [hbm:s0], s1  }
0x49: {  	s0 =	simm.s32 @!p0 $0x1  }
0x4a: {  	_ =	swait.ge @!p0 [sflag:s0], s1  }
0x4b: {  	s1 =	ssub.s32 @!p0 $0x0, s1;
	[sflag:s0] =	ssyncset.done @!p0 $0x0  }
0x4c: {  	[sflag:s0] =	ssyncadd.s32 @!p0 s1  }
0x4d: {  	[bflag:$0x3] =	sbarrier.arrive $0xFFFF  }
0x4e: {  	_ =	shalt  }

</sc_bundles>
